<compile_context>
chip_gen: v7x
topology: tpu7x:2x2x1
jax: 0.10.2.dev20260603
libtpu: 0.0.44.dev20260713+nightly
codegen_flags: <defaults>
</compile_context>

<pallas_src>
import functools

import jax
import jax.numpy as jnp
from jax import lax
from jax.experimental import pallas as pl
from jax.experimental.pallas import tpu as pltpu
from jax.experimental.pallas import tpu_sc as plsc

_NC = 2
_NS = 16
_NW = _NC * _NS
_CH = 128
_SEC = 20


def _sc_spmm(x3, src3, dst3, w3):
    npad = 10240
    nb = src3.shape[1]
    rows_per_tile = npad // _NS
    zcp = 128
    nz = rows_per_tile // zcp
    nsec = nb // _SEC
    mesh = plsc.VectorSubcoreMesh(core_axis_name="c", subcore_axis_name="s")

    @functools.partial(
        pl.kernel,
        out_type=jax.ShapeDtypeStruct((_NC, npad, 128), jnp.float32),
        mesh=mesh,
        compiler_params=pltpu.CompilerParams(use_tc_tiling_on_sc=False),
        scratch_types=[
            pltpu.VMEM((_SEC, _CH), jnp.int32),
            pltpu.VMEM((_SEC, _CH), jnp.int32),
            pltpu.VMEM((_SEC * _CH,), jnp.float32),
            pltpu.VMEM((_CH, 64), jnp.int32),
            pltpu.VMEM((_CH, 64), jnp.int32),
            pltpu.VMEM((_CH, 128), jnp.float32),
            pltpu.VMEM_SHARED((npad, 128), jnp.float32),
            pltpu.SemaphoreType.DMA,
            pltpu.SemaphoreType.DMA,
        ],
    )
    def spmm(x_hbm, src_hbm, dst_hbm, w_hbm, out_hbm,
             src_v, dst_v, w_v, rows_a, rows_b, rows_f, feat_sh,
             gsem_a, gsem_b):
        cid = lax.axis_index("c")
        sid = lax.axis_index("s")
        wid = cid * _NS + sid

        def zrow(r, carry):
            for t in range(8):
                rows_f[r, pl.ds(16 * t, 16)] = jnp.zeros((16,), jnp.float32)
            return carry
        lax.fori_loop(0, _CH, zrow, 0)
        for k in range(nz):
            pltpu.sync_copy(rows_f,
                            feat_sh.at[pl.ds(sid * rows_per_tile + k * zcp, zcp)])
        plsc.subcore_barrier()

        shift16 = jnp.full((16,), 16, jnp.uint32)
        himask = jnp.full((16,), 0xFFFF0000, jnp.uint32)

        def scale_rows(j, rows_p):
            woff = j * _CH

            @functools.partial(plsc.parallel_loop, 0, _CH, unroll=2)
            def _(e):
                wb = plsc.load_gather(
                    w_v, [jnp.full((16,), woff + e, jnp.int32)])
                for t in range(4):
                    v = lax.bitcast_convert_type(
                        rows_p[e, pl.ds(16 * t, 16)], jnp.uint32)
                    lo = lax.bitcast_convert_type(
                        lax.shift_left(v, shift16), jnp.float32)
                    hi = lax.bitcast_convert_type(v & himask, jnp.float32)
                    rows_f[e, pl.ds(32 * t, 16)] = lo * wb
                    rows_f[e, pl.ds(32 * t + 16, 16)] = hi * wb

        def section(s, carry):
            base = s * _SEC
            pltpu.sync_copy(src_hbm.at[wid, pl.ds(base, _SEC)], src_v)
            pltpu.sync_copy(dst_hbm.at[wid, pl.ds(base, _SEC)], dst_v)
            pltpu.sync_copy(w_hbm.at[wid, pl.ds(base * _CH, _SEC * _CH)], w_v)

            def pair(p, c2):
                j0 = 2 * p
                j1 = j0 + 1
                pltpu.async_copy(x_hbm.at[src_v.at[j0]], rows_a, gsem_a)
                pltpu.async_copy(x_hbm.at[src_v.at[j1]], rows_b, gsem_b)
                pltpu.make_async_copy(x_hbm.at[src_v.at[j0]], rows_a, gsem_a).wait()
                scale_rows(j0, rows_a)
                pltpu.sync_copy(rows_f, feat_sh.at[dst_v.at[j0]], add=True)
                pltpu.make_async_copy(x_hbm.at[src_v.at[j1]], rows_b, gsem_b).wait()
                scale_rows(j1, rows_b)
                pltpu.sync_copy(rows_f, feat_sh.at[dst_v.at[j1]], add=True)
                return c2
            lax.fori_loop(0, _SEC // 2, pair, 0)
            return carry
        lax.fori_loop(0, nsec, section, 0)

        plsc.subcore_barrier()
        for k in range(nz):
            off = sid * rows_per_tile + k * zcp
            pltpu.sync_copy(feat_sh.at[pl.ds(off, zcp)],
                            out_hbm.at[cid, pl.ds(off, zcp)])

    return spmm(x3, src3, dst3, w3)


def _tc_dense(p0, p1, w, b, scale, offset):
    n, d = p0.shape
    br = 1000
    grid = (n // br,)

    def body(p0_ref, p1_ref, w_ref, b_ref, s_ref, o_ref, out_ref):
        feat = p0_ref[...] + p1_ref[...]
        z = lax.dot_general(feat, w_ref[...], (((1,), (1,)), ((), ())),
                            preferred_element_type=jnp.float32,
                            precision=lax.Precision.HIGHEST)
        z = z + b_ref[...]
        z = jnp.where(z > 0, z, jnp.exp(jnp.minimum(z, 0.0)) - 1.0)
        m = jnp.mean(z, axis=1, keepdims=True)
        c = z - m
        var = jnp.mean(c * c, axis=1, keepdims=True) + 1e-9
        out_ref[...] = c * s_ref[...] * lax.rsqrt(var) + o_ref[...]

    return pl.pallas_call(
        body,
        grid=grid,
        in_specs=[
            pl.BlockSpec((br, d), lambda i: (i, 0)),
            pl.BlockSpec((br, d), lambda i: (i, 0)),
            pl.BlockSpec((d, d), lambda i: (0, 0)),
            pl.BlockSpec((1, d), lambda i: (0, 0)),
            pl.BlockSpec((1, d), lambda i: (0, 0)),
            pl.BlockSpec((1, d), lambda i: (0, 0)),
        ],
        out_specs=pl.BlockSpec((br, d), lambda i: (i, 0)),
        out_shape=jax.ShapeDtypeStruct((n, d), jnp.float32),
    )(p0, p1, w, b.reshape(1, d), scale.reshape(1, d), offset.reshape(1, d))


def kernel(x, edge_index, edge_weight, W, b, scale, offset,
           sampled_nodes, nodes_per_layer, iterations):
    n, d = x.shape
    e = edge_index.shape[1]
    assert d == 128 and n <= 10240

    nb = -(-e // (_NW * _CH))
    nb += (-nb) % _SEC
    e_pad = _NW * nb * _CH
    pad = e_pad - e

    dst = edge_index[0]
    src = edge_index[1]
    src3 = jnp.concatenate([src, jnp.zeros((pad,), jnp.int32)]).reshape(_NW, nb, _CH)
    dst3 = jnp.concatenate([dst, jnp.zeros((pad,), jnp.int32)]).reshape(_NW, nb, _CH)
    w3 = jnp.concatenate([edge_weight, jnp.zeros((pad,), jnp.float32)]).reshape(_NW, nb * _CH)

    x_bf = lax.bitcast_convert_type(
        x.astype(jnp.bfloat16).reshape(n, d // 2, 2), jnp.int32)
    q = []
    for g in range(d // 32):
        q += [32 * g + 2 * i for i in range(16)]
        q += [32 * g + 2 * i + 1 for i in range(16)]
    w_perm = W[:, jnp.asarray(q, dtype=jnp.int32)]

    parts = _sc_spmm(x_bf, src3, dst3, w3)[:, :n, :]
    return _tc_dense(parts[0], parts[1], w_perm, b, scale, offset)

# --- scband reference (transcript-rebuilt; emitter-appended) ---
"""Pipeline reference for scband-graph-convolution-83288005804153 (READ-ONLY COPY).

The authoritative reference and input builder live on the scoring server;
editing this copy changes nothing except your own understanding.
"""

import jax, jax.numpy as jnp
import numpy as np

N = 10000
E = 320000
D = 128

def setup_inputs(seed: int = 0) -> dict:
    key = jax.random.key(seed)
    ks = jax.random.split(key, 8)
    x = jax.random.normal(ks[0], (N, D), dtype=jnp.float32)
    edge_index = jax.random.randint(ks[1], (2, E), 0, N, dtype=jnp.int32)
    edge_weight = jax.random.uniform(ks[2], (E,), dtype=jnp.float32)
    W = jax.random.normal(ks[3], (D, D), dtype=jnp.float32) * (1.0 / np.sqrt(D))
    b = jnp.zeros((D,), dtype=jnp.float32)
    scale = jnp.ones((D,), dtype=jnp.float32)
    offset = jnp.zeros((D,), dtype=jnp.float32)
    sampled_nodes = jax.random.randint(ks[4], (N,), 0, N, dtype=jnp.int32)
    nodes_per_layer = jax.random.randint(ks[5], (N,), 0, N, dtype=jnp.int32)
    iterations = 1
    return {"x": x, "edge_index": edge_index, "edge_weight": edge_weight,
            "W": W, "b": b, "scale": scale, "offset": offset,
            "sampled_nodes": sampled_nodes, "nodes_per_layer": nodes_per_layer,
            "iterations": iterations}

def reference(x, edge_index, edge_weight, W, b, scale, offset,
              sampled_nodes, nodes_per_layer, iterations):
    # Eval-path GraphConvolution (order > 0):
    # feat = spmm(adj, x); out = elu(linear(feat)); per-row layernorm with scale/offset.
    dst = edge_index[0]
    src = edge_index[1]
    msgs = x[src] * edge_weight[:, None]          # gather + elementwise scale
    feat = jax.ops.segment_sum(msgs, dst, num_segments=x.shape[0])  # scatter-add (spmm)
    out = jax.nn.elu(feat @ W.T + b)
    mean = jnp.mean(out, axis=1, keepdims=True)
    var = jnp.var(out, axis=1, keepdims=True) + 1e-09
    return (out - mean) * scale * jax.lax.rsqrt(var) + offset

if __name__ == "__main__":
    import jax
    _d = setup_inputs()
    print(jax.jit(kernel)(*tuple(_d.values())))

</pallas_src>

<mosaic_0001>
#map = affine_map<(d0, d1) -> (0, 0)>
#map1 = affine_map<(d0, d1) -> (0, 0, 0)>
module attributes {stable_mosaic.version = 14 : i64} {
  func.func @spmm(%arg0: i32, %arg1: i32, %arg2: memref<10000x64xi32, #tpu.memory_space<hbm>>, %arg3: memref<32x80x128xi32, #tpu.memory_space<hbm>>, %arg4: memref<32x80x128xi32, #tpu.memory_space<hbm>>, %arg5: memref<32x10240xf32, #tpu.memory_space<hbm>>, %arg6: memref<2x10240x128xf32, #tpu.memory_space<hbm>>, %arg7: memref<20x128xi32, #tpu.memory_space<vmem>>, %arg8: memref<20x128xi32, #tpu.memory_space<vmem>>, %arg9: memref<2560xf32, #tpu.memory_space<vmem>>, %arg10: memref<128x64xi32, #tpu.memory_space<vmem>>, %arg11: memref<128x64xi32, #tpu.memory_space<vmem>>, %arg12: memref<128x128xf32, #tpu.memory_space<vmem>>, %arg13: memref<10240x128xf32, #tpu.memory_space<vmem_shared>>, %arg14: memref<!tpu.dma_semaphore, #tpu.memory_space<semaphore_mem>>, %arg15: memref<!tpu.dma_semaphore, #tpu.memory_space<semaphore_mem>>) attributes {dimension_semantics = [#tpu.dimension_semantics<core_parallel>, #tpu.dimension_semantics<subcore_parallel>], iteration_bounds = array<i64: 2, 16>, scalar_prefetch = 0 : i64, scratch_operands = 9 : i64, tpu.core_type = #tpu.core_type<sc_vector_subcore>, window_params = [{transform_indices = #map}, {transform_indices = #map1}, {transform_indices = #map1}, {transform_indices = #map}, {transform_indices = #map1}]} {
    %mul3A = arith.constant 16 : i32
    %mul3A_0 = arith.muli %arg0, %mul3A : i32
    %add3A = arith.addi %mul3A_0, %arg1 : i32
    %scan3A = arith.constant 0 : i32
    %scan3A_1 = arith.constant 0 : i32
    %scan3A_2 = arith.constant 128 : i32
    %scan3A_3 = arith.addi %scan3A_1, %scan3A_2 : i32
    %scan3A_4 = arith.constant 1 : i32
    scf.for %scan3A_56 = %scan3A_1 to %scan3A_3 step %scan3A_4  : i32 {
      %broadcast_in_dim3A_57 = arith.constant 0.000000e+00 : f32
      %broadcast_in_dim3A_58 = vector.broadcast %broadcast_in_dim3A_57 : f32 to vector<16xf32>
      %swap3A = arith.index_cast %scan3A_56 : i32 to index
      %swap3A_59 = arith.constant 0 : index
      %swap3A_60 = tpu.vector_load %arg12[%swap3A, %swap3A_59] {strides = array<i32>} : memref<128x128xf32, #tpu.memory_space<vmem>>, vector<1x16xf32>,
      %swap3A_61 = vector.shape_cast %swap3A_60 : vector<1x16xf32> to vector<16xf32>
      %swap3A_62 = vector.shape_cast %broadcast_in_dim3A_58 : vector<16xf32> to vector<1x16xf32>
      tpu.vector_store %arg12[%swap3A, %swap3A_59], %swap3A_62 {strides = array<i32>} : memref<128x128xf32, #tpu.memory_space<vmem>>, vector<1x16xf32>,
      %broadcast_in_dim3A_63 = arith.constant 0.000000e+00 : f32
      %broadcast_in_dim3A_64 = vector.broadcast %broadcast_in_dim3A_63 : f32 to vector<16xf32>
      %swap3A_65 = arith.index_cast %scan3A_56 : i32 to index
      %swap3A_66 = arith.constant 16 : index
      %swap3A_67 = tpu.vector_load %arg12[%swap3A_65, %swap3A_66] {strides = array<i32>} : memref<128x128xf32, #tpu.memory_space<vmem>>, vector<1x16xf32>,
      %swap3A_68 = vector.shape_cast %swap3A_67 : vector<1x16xf32> to vector<16xf32>
      %swap3A_69 = vector.shape_cast %broadcast_in_dim3A_64 : vector<16xf32> to vector<1x16xf32>
      tpu.vector_store %arg12[%swap3A_65, %swap3A_66], %swap3A_69 {strides = array<i32>} : memref<128x128xf32, #tpu.memory_space<vmem>>, vector<1x16xf32>,
      %broadcast_in_dim3A_70 = arith.constant 0.000000e+00 : f32
      %broadcast_in_dim3A_71 = vector.broadcast %broadcast_in_dim3A_70 : f32 to vector<16xf32>
      %swap3A_72 = arith.index_cast %scan3A_56 : i32 to index
      %swap3A_73 = arith.constant 32 : index
      %swap3A_74 = tpu.vector_load %arg12[%swap3A_72, %swap3A_73] {strides = array<i32>} : memref<128x128xf32, #tpu.memory_space<vmem>>, vector<1x16xf32>,
      %swap3A_75 = vector.shape_cast %swap3A_74 : vector<1x16xf32> to vector<16xf32>
      %swap3A_76 = vector.shape_cast %broadcast_in_dim3A_71 : vector<16xf32> to vector<1x16xf32>
      tpu.vector_store %arg12[%swap3A_72, %swap3A_73], %swap3A_76 {strides = array<i32>} : memref<128x128xf32, #tpu.memory_space<vmem>>, vector<1x16xf32>,
      %broadcast_in_dim3A_77 = arith.constant 0.000000e+00 : f32
      %broadcast_in_dim3A_78 = vector.broadcast %broadcast_in_dim3A_77 : f32 to vector<16xf32>
      %swap3A_79 = arith.index_cast %scan3A_56 : i32 to index
      %swap3A_80 = arith.constant 48 : index
      %swap3A_81 = tpu.vector_load %arg12[%swap3A_79, %swap3A_80] {strides = array<i32>} : memref<128x128xf32, #tpu.memory_space<vmem>>, vector<1x16xf32>,
      %swap3A_82 = vector.shape_cast %swap3A_81 : vector<1x16xf32> to vector<16xf32>
      %swap3A_83 = vector.shape_cast %broadcast_in_dim3A_78 : vector<16xf32> to vector<1x16xf32>
      tpu.vector_store %arg12[%swap3A_79, %swap3A_80], %swap3A_83 {strides = array<i32>} : memref<128x128xf32, #tpu.memory_space<vmem>>, vector<1x16xf32>,
      %broadcast_in_dim3A_84 = arith.constant 0.000000e+00 : f32
      %broadcast_in_dim3A_85 = vector.broadcast %broadcast_in_dim3A_84 : f32 to vector<16xf32>
      %swap3A_86 = arith.index_cast %scan3A_56 : i32 to index
      %swap3A_87 = arith.constant 64 : index
      %swap3A_88 = tpu.vector_load %arg12[%swap3A_86, %swap3A_87] {strides = array<i32>} : memref<128x128xf32, #tpu.memory_space<vmem>>, vector<1x16xf32>,
      %swap3A_89 = vector.shape_cast %swap3A_88 : vector<1x16xf32> to vector<16xf32>
      %swap3A_90 = vector.shape_cast %broadcast_in_dim3A_85 : vector<16xf32> to vector<1x16xf32>
      tpu.vector_store %arg12[%swap3A_86, %swap3A_87], %swap3A_90 {strides = array<i32>} : memref<128x128xf32, #tpu.memory_space<vmem>>, vector<1x16xf32>,
      %broadcast_in_dim3A_91 = arith.constant 0.000000e+00 : f32
      %broadcast_in_dim3A_92 = vector.broadcast %broadcast_in_dim3A_91 : f32 to vector<16xf32>
      %swap3A_93 = arith.index_cast %scan3A_56 : i32 to index
      %swap3A_94 = arith.constant 80 : index
      %swap3A_95 = tpu.vector_load %arg12[%swap3A_93, %swap3A_94] {strides = array<i32>} : memref<128x128xf32, #tpu.memory_space<vmem>>, vector<1x16xf32>,
      %swap3A_96 = vector.shape_cast %swap3A_95 : vector<1x16xf32> to vector<16xf32>
      %swap3A_97 = vector.shape_cast %broadcast_in_dim3A_92 : vector<16xf32> to vector<1x16xf32>
      tpu.vector_store %arg12[%swap3A_93, %swap3A_94], %swap3A_97 {strides = array<i32>} : memref<128x128xf32, #tpu.memory_space<vmem>>, vector<1x16xf32>,
      %broadcast_in_dim3A_98 = arith.constant 0.000000e+00 : f32
      %broadcast_in_dim3A_99 = vector.broadcast %broadcast_in_dim3A_98 : f32 to vector<16xf32>
      %swap3A_100 = arith.index_cast %scan3A_56 : i32 to index
      %swap3A_101 = arith.constant 96 : index
      %swap3A_102 = tpu.vector_load %arg12[%swap3A_100, %swap3A_101] {strides = array<i32>} : memref<128x128xf32, #tpu.memory_space<vmem>>, vector<1x16xf32>,
      %swap3A_103 = vector.shape_cast %swap3A_102 : vector<1x16xf32> to vector<16xf32>
      %swap3A_104 = vector.shape_cast %broadcast_in_dim3A_99 : vector<16xf32> to vector<1x16xf32>
      tpu.vector_store %arg12[%swap3A_100, %swap3A_101], %swap3A_104 {strides = array<i32>} : memref<128x128xf32, #tpu.memory_space<vmem>>, vector<1x16xf32>,
      %broadcast_in_dim3A_105 = arith.constant 0.000000e+00 : f32
      %broadcast_in_dim3A_106 = vector.broadcast %broadcast_in_dim3A_105 : f32 to vector<16xf32>
      %swap3A_107 = arith.index_cast %scan3A_56 : i32 to index
      %swap3A_108 = arith.constant 112 : index
      %swap3A_109 = tpu.vector_load %arg12[%swap3A_107, %swap3A_108] {strides = array<i32>} : memref<128x128xf32, #tpu.memory_space<vmem>>, vector<1x16xf32>,
      %swap3A_110 = vector.shape_cast %swap3A_109 : vector<1x16xf32> to vector<16xf32>
      %swap3A_111 = vector.shape_cast %broadcast_in_dim3A_106 : vector<16xf32> to vector<1x16xf32>
      tpu.vector_store %arg12[%swap3A_107, %swap3A_108], %swap3A_111 {strides = array<i32>} : memref<128x128xf32, #tpu.memory_space<vmem>>, vector<1x16xf32>,
    }
    %scan3A_5 = arith.constant 128 : i32
    %mul3A_6 = arith.constant 640 : i32
    %mul3A_7 = arith.muli %arg1, %mul3A_6 : i32
    %add3A_8 = arith.constant 0 : i32
    %add3A_9 = arith.addi %mul3A_7, %add3A_8 : i32
    "tpu.region"() ({
      %run_scoped3A = tpu.sem_alloc : memref<!tpu.dma_semaphore, #tpu.memory_space<semaphore_mem>>
      %dma_start3A = arith.constant 0 : i32
      %dma_start3A_56 = tpu.memref_slice %arg13[%add3A_9, %dma_start3A] : memref<10240x128xf32, #tpu.memory_space<vmem_shared>> -> memref<128x128xf32, #tpu.memory_space<vmem_shared>>
      %dma_start3A_57 = arith.constant 0 : i32
      %dma_start3A_58 = tpu.memref_slice %arg13[%add3A_9, %dma_start3A_57] : memref<10240x128xf32, #tpu.memory_space<vmem_shared>> -> memref<128x128xf32, #tpu.memory_space<vmem_shared>>
      tpu.enqueue_dma source(%arg12 : memref<128x128xf32, #tpu.memory_space<vmem>>) target(%dma_start3A_58 : memref<128x128xf32, #tpu.memory_space<vmem_shared>>) target_semaphore(%run_scoped3A : memref<!tpu.dma_semaphore, #tpu.memory_space<semaphore_mem>>)
      %dma_wait3A = arith.constant 0 : i32
      %dma_wait3A_59 = tpu.memref_slice %arg13[%add3A_9, %dma_wait3A] : memref<10240x128xf32, #tpu.memory_space<vmem_shared>> -> memref<128x128xf32, #tpu.memory_space<vmem_shared>>
      %dma_wait3A_60 = arith.constant 0 : i32
      %dma_wait3A_61 = tpu.memref_slice %arg13[%add3A_9, %dma_wait3A_60] : memref<10240x128xf32, #tpu.memory_space<vmem_shared>> -> memref<128x128xf32, #tpu.memory_space<vmem_shared>>
      tpu.wait_dma2 semaphore(%run_scoped3A : memref<!tpu.dma_semaphore, #tpu.memory_space<semaphore_mem>>) src(%arg12 : memref<128x128xf32, #tpu.memory_space<vmem>>) dst(%dma_wait3A_61 : memref<128x128xf32, #tpu.memory_space<vmem_shared>>)
      tpu.yield
    }) : () -> ()
    %mul3A_10 = arith.constant 640 : i32
    %mul3A_11 = arith.muli %arg1, %mul3A_10 : i32
    %add3A_12 = arith.constant 128 : i32
    %add3A_13 = arith.addi %mul3A_11, %add3A_12 : i32
    "tpu.region"() ({
      %run_scoped3A = tpu.sem_alloc : memref<!tpu.dma_semaphore, #tpu.memory_space<semaphore_mem>>
      %dma_start3A = arith.constant 0 : i32
      %dma_start3A_56 = tpu.memref_slice %arg13[%add3A_13, %dma_start3A] : memref<10240x128xf32, #tpu.memory_space<vmem_shared>> -> memref<128x128xf32, #tpu.memory_space<vmem_shared>>
      %dma_start3A_57 = arith.constant 0 : i32
      %dma_start3A_58 = tpu.memref_slice %arg13[%add3A_13, %dma_start3A_57] : memref<10240x128xf32, #tpu.memory_space<vmem_shared>> -> memref<128x128xf32, #tpu.memory_space<vmem_shared>>
      tpu.enqueue_dma source(%arg12 : memref<128x128xf32, #tpu.memory_space<vmem>>) target(%dma_start3A_58 : memref<128x128xf32, #tpu.memory_space<vmem_shared>>) target_semaphore(%run_scoped3A : memref<!tpu.dma_semaphore, #tpu.memory_space<semaphore_mem>>)
      %dma_wait3A = arith.constant 0 : i32
      %dma_wait3A_59 = tpu.memref_slice %arg13[%add3A_13, %dma_wait3A] : memref<10240x128xf32, #tpu.memory_space<vmem_shared>> -> memref<128x128xf32, #tpu.memory_space<vmem_shared>>
      %dma_wait3A_60 = arith.constant 0 : i32
      %dma_wait3A_61 = tpu.memref_slice %arg13[%add3A_13, %dma_wait3A_60] : memref<10240x128xf32, #tpu.memory_space<vmem_shared>> -> memref<128x128xf32, #tpu.memory_space<vmem_shared>>
      tpu.wait_dma2 semaphore(%run_scoped3A : memref<!tpu.dma_semaphore, #tpu.memory_space<semaphore_mem>>) src(%arg12 : memref<128x128xf32, #tpu.memory_space<vmem>>) dst(%dma_wait3A_61 : memref<128x128xf32, #tpu.memory_space<vmem_shared>>)
      tpu.yield
    }) : () -> ()
    %mul3A_14 = arith.constant 640 : i32
    %mul3A_15 = arith.muli %arg1, %mul3A_14 : i32
    %add3A_16 = arith.constant 256 : i32
    %add3A_17 = arith.addi %mul3A_15, %add3A_16 : i32
    "tpu.region"() ({
      %run_scoped3A = tpu.sem_alloc : memref<!tpu.dma_semaphore, #tpu.memory_space<semaphore_mem>>
      %dma_start3A = arith.constant 0 : i32
      %dma_start3A_56 = tpu.memref_slice %arg13[%add3A_17, %dma_start3A] : memref<10240x128xf32, #tpu.memory_space<vmem_shared>> -> memref<128x128xf32, #tpu.memory_space<vmem_shared>>
      %dma_start3A_57 = arith.constant 0 : i32
      %dma_start3A_58 = tpu.memref_slice %arg13[%add3A_17, %dma_start3A_57] : memref<10240x128xf32, #tpu.memory_space<vmem_shared>> -> memref<128x128xf32, #tpu.memory_space<vmem_shared>>
      tpu.enqueue_dma source(%arg12 : memref<128x128xf32, #tpu.memory_space<vmem>>) target(%dma_start3A_58 : memref<128x128xf32, #tpu.memory_space<vmem_shared>>) target_semaphore(%run_scoped3A : memref<!tpu.dma_semaphore, #tpu.memory_space<semaphore_mem>>)
      %dma_wait3A = arith.constant 0 : i32
      %dma_wait3A_59 = tpu.memref_slice %arg13[%add3A_17, %dma_wait3A] : memref<10240x128xf32, #tpu.memory_space<vmem_shared>> -> memref<128x128xf32, #tpu.memory_space<vmem_shared>>
      %dma_wait3A_60 = arith.constant 0 : i32
      %dma_wait3A_61 = tpu.memref_slice %arg13[%add3A_17, %dma_wait3A_60] : memref<10240x128xf32, #tpu.memory_space<vmem_shared>> -> memref<128x128xf32, #tpu.memory_space<vmem_shared>>
      tpu.wait_dma2 semaphore(%run_scoped3A : memref<!tpu.dma_semaphore, #tpu.memory_space<semaphore_mem>>) src(%arg12 : memref<128x128xf32, #tpu.memory_space<vmem>>) dst(%dma_wait3A_61 : memref<128x128xf32, #tpu.memory_space<vmem_shared>>)
      tpu.yield
    }) : () -> ()
    %mul3A_18 = arith.constant 640 : i32
    %mul3A_19 = arith.muli %arg1, %mul3A_18 : i32
    %add3A_20 = arith.constant 384 : i32
    %add3A_21 = arith.addi %mul3A_19, %add3A_20 : i32
    "tpu.region"() ({
      %run_scoped3A = tpu.sem_alloc : memref<!tpu.dma_semaphore, #tpu.memory_space<semaphore_mem>>
      %dma_start3A = arith.constant 0 : i32
      %dma_start3A_56 = tpu.memref_slice %arg13[%add3A_21, %dma_start3A] : memref<10240x128xf32, #tpu.memory_space<vmem_shared>> -> memref<128x128xf32, #tpu.memory_space<vmem_shared>>
      %dma_start3A_57 = arith.constant 0 : i32
      %dma_start3A_58 = tpu.memref_slice %arg13[%add3A_21, %dma_start3A_57] : memref<10240x128xf32, #tpu.memory_space<vmem_shared>> -> memref<128x128xf32, #tpu.memory_space<vmem_shared>>
      tpu.enqueue_dma source(%arg12 : memref<128x128xf32, #tpu.memory_space<vmem>>) target(%dma_start3A_58 : memref<128x128xf32, #tpu.memory_space<vmem_shared>>) target_semaphore(%run_scoped3A : memref<!tpu.dma_semaphore, #tpu.memory_space<semaphore_mem>>)
      %dma_wait3A = arith.constant 0 : i32
      %dma_wait3A_59 = tpu.memref_slice %arg13[%add3A_21, %dma_wait3A] : memref<10240x128xf32, #tpu.memory_space<vmem_shared>> -> memref<128x128xf32, #tpu.memory_space<vmem_shared>>
      %dma_wait3A_60 = arith.constant 0 : i32
      %dma_wait3A_61 = tpu.memref_slice %arg13[%add3A_21, %dma_wait3A_60] : memref<10240x128xf32, #tpu.memory_space<vmem_shared>> -> memref<128x128xf32, #tpu.memory_space<vmem_shared>>
      tpu.wait_dma2 semaphore(%run_scoped3A : memref<!tpu.dma_semaphore, #tpu.memory_space<semaphore_mem>>) src(%arg12 : memref<128x128xf32, #tpu.memory_space<vmem>>) dst(%dma_wait3A_61 : memref<128x128xf32, #tpu.memory_space<vmem_shared>>)
      tpu.yield
    }) : () -> ()
    %mul3A_22 = arith.constant 640 : i32
    %mul3A_23 = arith.muli %arg1, %mul3A_22 : i32
    %add3A_24 = arith.constant 512 : i32
    %add3A_25 = arith.addi %mul3A_23, %add3A_24 : i32
    "tpu.region"() ({
      %run_scoped3A = tpu.sem_alloc : memref<!tpu.dma_semaphore, #tpu.memory_space<semaphore_mem>>
      %dma_start3A = arith.constant 0 : i32
      %dma_start3A_56 = tpu.memref_slice %arg13[%add3A_25, %dma_start3A] : memref<10240x128xf32, #tpu.memory_space<vmem_shared>> -> memref<128x128xf32, #tpu.memory_space<vmem_shared>>
      %dma_start3A_57 = arith.constant 0 : i32
      %dma_start3A_58 = tpu.memref_slice %arg13[%add3A_25, %dma_start3A_57] : memref<10240x128xf32, #tpu.memory_space<vmem_shared>> -> memref<128x128xf32, #tpu.memory_space<vmem_shared>>
      tpu.enqueue_dma source(%arg12 : memref<128x128xf32, #tpu.memory_space<vmem>>) target(%dma_start3A_58 : memref<128x128xf32, #tpu.memory_space<vmem_shared>>) target_semaphore(%run_scoped3A : memref<!tpu.dma_semaphore, #tpu.memory_space<semaphore_mem>>)
      %dma_wait3A = arith.constant 0 : i32
      %dma_wait3A_59 = tpu.memref_slice %arg13[%add3A_25, %dma_wait3A] : memref<10240x128xf32, #tpu.memory_space<vmem_shared>> -> memref<128x128xf32, #tpu.memory_space<vmem_shared>>
      %dma_wait3A_60 = arith.constant 0 : i32
      %dma_wait3A_61 = tpu.memref_slice %arg13[%add3A_25, %dma_wait3A_60] : memref<10240x128xf32, #tpu.memory_space<vmem_shared>> -> memref<128x128xf32, #tpu.memory_space<vmem_shared>>
      tpu.wait_dma2 semaphore(%run_scoped3A : memref<!tpu.dma_semaphore, #tpu.memory_space<semaphore_mem>>) src(%arg12 : memref<128x128xf32, #tpu.memory_space<vmem>>) dst(%dma_wait3A_61 : memref<128x128xf32, #tpu.memory_space<vmem_shared>>)
      tpu.yield
    }) : () -> ()
    %barrier3A = arith.constant 0 : index
    tpu.barrier barrier_id(%barrier3A)
    %broadcast_in_dim3A = arith.constant 16 : i32
    %broadcast_in_dim3A_26 = vector.broadcast %broadcast_in_dim3A : i32 to vector<16xi32>
    %broadcast_in_dim3A_27 = arith.constant -65536 : i32
    %broadcast_in_dim3A_28 = vector.broadcast %broadcast_in_dim3A_27 : i32 to vector<16xi32>
    %scan3A_29 = arith.constant 0 : i32
    %scan3A_30 = arith.constant 0 : i32
    %scan3A_31 = arith.constant 4 : i32
    %scan3A_32 = arith.addi %scan3A_30, %scan3A_31 : i32
    %scan3A_33 = arith.constant 1 : i32
    scf.for %scan3A_56 = %scan3A_30 to %scan3A_32 step %scan3A_33  : i32 {
      %mul3A_57 = arith.constant 20 : i32
      %mul3A_58 = arith.muli %scan3A_56, %mul3A_57 : i32
      "tpu.region"() ({
        %run_scoped3A = tpu.sem_alloc : memref<!tpu.dma_semaphore, #tpu.memory_space<semaphore_mem>>
        %dma_start3A = arith.constant 0 : i32
        %dma_start3A_67 = tpu.memref_slice %arg3[%add3A, %mul3A_58, %dma_start3A] : memref<32x80x128xi32, #tpu.memory_space<hbm>> -> memref<1x20x128xi32, #tpu.memory_space<hbm>>
        %dma_start3A_68 = tpu.memref_squeeze %dma_start3A_67 : memref<1x20x128xi32, #tpu.memory_space<hbm>> -> memref<20x128xi32, #tpu.memory_space<hbm>>
        %dma_start3A_69 = arith.constant 0 : i32
        %dma_start3A_70 = tpu.memref_slice %arg3[%add3A, %mul3A_58, %dma_start3A_69] : memref<32x80x128xi32, #tpu.memory_space<hbm>> -> memref<1x20x128xi32, #tpu.memory_space<hbm>>
        %dma_start3A_71 = tpu.memref_squeeze %dma_start3A_70 : memref<1x20x128xi32, #tpu.memory_space<hbm>> -> memref<20x128xi32, #tpu.memory_space<hbm>>
        tpu.enqueue_dma source(%dma_start3A_71 : memref<20x128xi32, #tpu.memory_space<hbm>>) target(%arg7 : memref<20x128xi32, #tpu.memory_space<vmem>>) target_semaphore(%run_scoped3A : memref<!tpu.dma_semaphore, #tpu.memory_space<semaphore_mem>>)
        %dma_wait3A = arith.constant 0 : i32
        %dma_wait3A_72 = tpu.memref_slice %arg3[%add3A, %mul3A_58, %dma_wait3A] : memref<32x80x128xi32, #tpu.memory_space<hbm>> -> memref<1x20x128xi32, #tpu.memory_space<hbm>>
        %dma_wait3A_73 = tpu.memref_squeeze %dma_wait3A_72 : memref<1x20x128xi32, #tpu.memory_space<hbm>> -> memref<20x128xi32, #tpu.memory_space<hbm>>
        %dma_wait3A_74 = arith.constant 0 : i32
        %dma_wait3A_75 = tpu.memref_slice %arg3[%add3A, %mul3A_58, %dma_wait3A_74] : memref<32x80x128xi32, #tpu.memory_space<hbm>> -> memref<1x20x128xi32, #tpu.memory_space<hbm>>
        %dma_wait3A_76 = tpu.memref_squeeze %dma_wait3A_75 : memref<1x20x128xi32, #tpu.memory_space<hbm>> -> memref<20x128xi32, #tpu.memory_space<hbm>>
        tpu.wait_dma2 semaphore(%run_scoped3A : memref<!tpu.dma_semaphore, #tpu.memory_space<semaphore_mem>>) src(%dma_wait3A_76 : memref<20x128xi32, #tpu.memory_space<hbm>>) dst(%arg7 : memref<20x128xi32, #tpu.memory_space<vmem>>)
        tpu.yield
      }) : () -> ()
      "tpu.region"() ({
        %run_scoped3A = tpu.sem_alloc : memref<!tpu.dma_semaphore, #tpu.memory_space<semaphore_mem>>
        %dma_start3A = arith.constant 0 : i32
        %dma_start3A_67 = tpu.memref_slice %arg4[%add3A, %mul3A_58, %dma_start3A] : memref<32x80x128xi32, #tpu.memory_space<hbm>> -> memref<1x20x128xi32, #tpu.memory_space<hbm>>
        %dma_start3A_68 = tpu.memref_squeeze %dma_start3A_67 : memref<1x20x128xi32, #tpu.memory_space<hbm>> -> memref<20x128xi32, #tpu.memory_space<hbm>>
        %dma_start3A_69 = arith.constant 0 : i32
        %dma_start3A_70 = tpu.memref_slice %arg4[%add3A, %mul3A_58, %dma_start3A_69] : memref<32x80x128xi32, #tpu.memory_space<hbm>> -> memref<1x20x128xi32, #tpu.memory_space<hbm>>
        %dma_start3A_71 = tpu.memref_squeeze %dma_start3A_70 : memref<1x20x128xi32, #tpu.memory_space<hbm>> -> memref<20x128xi32, #tpu.memory_space<hbm>>
        tpu.enqueue_dma source(%dma_start3A_71 : memref<20x128xi32, #tpu.memory_space<hbm>>) target(%arg8 : memref<20x128xi32, #tpu.memory_space<vmem>>) target_semaphore(%run_scoped3A : memref<!tpu.dma_semaphore, #tpu.memory_space<semaphore_mem>>)
        %dma_wait3A = arith.constant 0 : i32
        %dma_wait3A_72 = tpu.memref_slice %arg4[%add3A, %mul3A_58, %dma_wait3A] : memref<32x80x128xi32, #tpu.memory_space<hbm>> -> memref<1x20x128xi32, #tpu.memory_space<hbm>>
        %dma_wait3A_73 = tpu.memref_squeeze %dma_wait3A_72 : memref<1x20x128xi32, #tpu.memory_space<hbm>> -> memref<20x128xi32, #tpu.memory_space<hbm>>
        %dma_wait3A_74 = arith.constant 0 : i32
        %dma_wait3A_75 = tpu.memref_slice %arg4[%add3A, %mul3A_58, %dma_wait3A_74] : memref<32x80x128xi32, #tpu.memory_space<hbm>> -> memref<1x20x128xi32, #tpu.memory_space<hbm>>
        %dma_wait3A_76 = tpu.memref_squeeze %dma_wait3A_75 : memref<1x20x128xi32, #tpu.memory_space<hbm>> -> memref<20x128xi32, #tpu.memory_space<hbm>>
        tpu.wait_dma2 semaphore(%run_scoped3A : memref<!tpu.dma_semaphore, #tpu.memory_space<semaphore_mem>>) src(%dma_wait3A_76 : memref<20x128xi32, #tpu.memory_space<hbm>>) dst(%arg8 : memref<20x128xi32, #tpu.memory_space<vmem>>)
        tpu.yield
      }) : () -> ()
      %mul3A_59 = arith.constant 128 : i32
      %mul3A_60 = arith.muli %mul3A_58, %mul3A_59 : i32
      "tpu.region"() ({
        %run_scoped3A = tpu.sem_alloc : memref<!tpu.dma_semaphore, #tpu.memory_space<semaphore_mem>>
        %dma_start3A = tpu.memref_slice %arg5[%add3A, %mul3A_60] : memref<32x10240xf32, #tpu.memory_space<hbm>> -> memref<1x2560xf32, #tpu.memory_space<hbm>>
        %dma_start3A_67 = tpu.memref_squeeze %dma_start3A : memref<1x2560xf32, #tpu.memory_space<hbm>> -> memref<2560xf32, #tpu.memory_space<hbm>>
        %dma_start3A_68 = tpu.memref_slice %arg5[%add3A, %mul3A_60] : memref<32x10240xf32, #tpu.memory_space<hbm>> -> memref<1x2560xf32, #tpu.memory_space<hbm>>
        %dma_start3A_69 = tpu.memref_squeeze %dma_start3A_68 : memref<1x2560xf32, #tpu.memory_space<hbm>> -> memref<2560xf32, #tpu.memory_space<hbm>>
        tpu.enqueue_dma source(%dma_start3A_69 : memref<2560xf32, #tpu.memory_space<hbm>>) target(%arg9 : memref<2560xf32, #tpu.memory_space<vmem>>) target_semaphore(%run_scoped3A : memref<!tpu.dma_semaphore, #tpu.memory_space<semaphore_mem>>)
        %dma_wait3A = tpu.memref_slice %arg5[%add3A, %mul3A_60] : memref<32x10240xf32, #tpu.memory_space<hbm>> -> memref<1x2560xf32, #tpu.memory_space<hbm>>
        %dma_wait3A_70 = tpu.memref_squeeze %dma_wait3A : memref<1x2560xf32, #tpu.memory_space<hbm>> -> memref<2560xf32, #tpu.memory_space<hbm>>
        %dma_wait3A_71 = tpu.memref_slice %arg5[%add3A, %mul3A_60] : memref<32x10240xf32, #tpu.memory_space<hbm>> -> memref<1x2560xf32, #tpu.memory_space<hbm>>
        %dma_wait3A_72 = tpu.memref_squeeze %dma_wait3A_71 : memref<1x2560xf32, #tpu.memory_space<hbm>> -> memref<2560xf32, #tpu.memory_space<hbm>>
        tpu.wait_dma2 semaphore(%run_scoped3A : memref<!tpu.dma_semaphore, #tpu.memory_space<semaphore_mem>>) src(%dma_wait3A_72 : memref<2560xf32, #tpu.memory_space<hbm>>) dst(%arg9 : memref<2560xf32, #tpu.memory_space<vmem>>)
        tpu.yield
      }) : () -> ()
      %scan3A_61 = arith.constant 0 : i32
      %scan3A_62 = arith.constant 0 : i32
      %scan3A_63 = arith.constant 10 : i32
      %scan3A_64 = arith.addi %scan3A_62, %scan3A_63 : i32
      %scan3A_65 = arith.constant 1 : i32
      scf.for %scan3A_67 = %scan3A_62 to %scan3A_64 step %scan3A_65  : i32 {
        %mul3A_68 = arith.constant 2 : i32
        %mul3A_69 = arith.muli %mul3A_68, %scan3A_67 : i32
        %add3A_70 = arith.constant 1 : i32
        %add3A_71 = arith.addi %mul3A_69, %add3A_70 : i32
        %dma_start3A = arith.constant 0 : i32
        %dma_start3A_72 = tpu.memref_slice %arg7[%mul3A_69, %dma_start3A] : memref<20x128xi32, #tpu.memory_space<vmem>> -> memref<1x128xi32, #tpu.memory_space<vmem>>
        %dma_start3A_73 = tpu.memref_squeeze %dma_start3A_72 : memref<1x128xi32, #tpu.memory_space<vmem>> -> memref<128xi32, #tpu.memory_space<vmem>>
        %dma_start3A_74 = arith.constant 0 : i32
        %dma_start3A_75 = arith.constant 0 : i32
        %dma_start3A_76 = tpu.memref_slice %arg2[%dma_start3A_74, %dma_start3A_75] : memref<10000x64xi32, #tpu.memory_space<hbm>> -> memref<10000x64xi32, #tpu.memory_space<hbm>>
        tpu.enqueue_indirect_dma source(%dma_start3A_76 : memref<10000x64xi32, #tpu.memory_space<hbm>>) target(%arg10 : memref<128x64xi32, #tpu.memory_space<vmem>>) offsets(%dma_start3A_73 : memref<128xi32, #tpu.memory_space<vmem>>) semaphore(%arg14 : memref<!tpu.dma_semaphore, #tpu.memory_space<semaphore_mem>>)
        %dma_start3A_77 = arith.constant 0 : i32
        %dma_start3A_78 = tpu.memref_slice %arg7[%add3A_71, %dma_start3A_77] : memref<20x128xi32, #tpu.memory_space<vmem>> -> memref<1x128xi32, #tpu.memory_space<vmem>>
        %dma_start3A_79 = tpu.memref_squeeze %dma_start3A_78 : memref<1x128xi32, #tpu.memory_space<vmem>> -> memref<128xi32, #tpu.memory_space<vmem>>
        %dma_start3A_80 = arith.constant 0 : i32
        %dma_start3A_81 = arith.constant 0 : i32
        %dma_start3A_82 = tpu.memref_slice %arg2[%dma_start3A_80, %dma_start3A_81] : memref<10000x64xi32, #tpu.memory_space<hbm>> -> memref<10000x64xi32, #tpu.memory_space<hbm>>
        tpu.enqueue_indirect_dma source(%dma_start3A_82 : memref<10000x64xi32, #tpu.memory_space<hbm>>) target(%arg11 : memref<128x64xi32, #tpu.memory_space<vmem>>) offsets(%dma_start3A_79 : memref<128xi32, #tpu.memory_space<vmem>>) semaphore(%arg15 : memref<!tpu.dma_semaphore, #tpu.memory_space<semaphore_mem>>)
        %dma_wait3A = arith.constant 0 : i32
        %dma_wait3A_83 = tpu.memref_slice %arg7[%mul3A_69, %dma_wait3A] : memref<20x128xi32, #tpu.memory_space<vmem>> -> memref<1x128xi32, #tpu.memory_space<vmem>>
        %dma_wait3A_84 = tpu.memref_squeeze %dma_wait3A_83 : memref<1x128xi32, #tpu.memory_space<vmem>> -> memref<128xi32, #tpu.memory_space<vmem>>
        %dma_wait3A_85 = arith.constant 0 : i32
        %dma_wait3A_86 = arith.constant 0 : i32
        %dma_wait3A_87 = tpu.memref_slice %arg2[%dma_wait3A_85, %dma_wait3A_86] : memref<10000x64xi32, #tpu.memory_space<hbm>> -> memref<10000x64xi32, #tpu.memory_space<hbm>>
        tpu.wait_indirect_dma semaphore(%arg14 : memref<!tpu.dma_semaphore, #tpu.memory_space<semaphore_mem>>) src(%dma_wait3A_87 : memref<10000x64xi32, #tpu.memory_space<hbm>>) dst(%arg10 : memref<128x64xi32, #tpu.memory_space<vmem>>)
        %mul3A_88 = arith.constant 128 : i32
        %mul3A_89 = arith.muli %mul3A_69, %mul3A_88 : i32
        "tpu.region"() ({
          %run_scoped3A = tpu.sem_alloc : memref<!tpu.dma_semaphore, #tpu.memory_space<semaphore_mem>>
          %dma_start3A_98 = arith.constant 0 : i32
          %dma_start3A_99 = tpu.memref_slice %arg8[%mul3A_69, %dma_start3A_98] : memref<20x128xi32, #tpu.memory_space<vmem>> -> memref<1x128xi32, #tpu.memory_space<vmem>>
          %dma_start3A_100 = tpu.memref_squeeze %dma_start3A_99 : memref<1x128xi32, #tpu.memory_space<vmem>> -> memref<128xi32, #tpu.memory_space<vmem>>
          %dma_start3A_101 = arith.constant 0 : i32
          %dma_start3A_102 = arith.constant 0 : i32
          %dma_start3A_103 = tpu.memref_slice %arg13[%dma_start3A_101, %dma_start3A_102] : memref<10240x128xf32, #tpu.memory_space<vmem_shared>> -> memref<10240x128xf32, #tpu.memory_space<vmem_shared>>
          tpu.enqueue_indirect_dma source(%arg12 : memref<128x128xf32, #tpu.memory_space<vmem>>) target(%dma_start3A_103 : memref<10240x128xf32, #tpu.memory_space<vmem_shared>>) offsets(%dma_start3A_100 : memref<128xi32, #tpu.memory_space<vmem>>) semaphore(%run_scoped3A : memref<!tpu.dma_semaphore, #tpu.memory_space<semaphore_mem>>) {add = true}
          %dma_wait3A_104 = arith.constant 0 : i32
          %dma_wait3A_105 = tpu.memref_slice %arg8[%mul3A_69, %dma_wait3A_104] : memref<20x128xi32, #tpu.memory_space<vmem>> -> memref<1x128xi32, #tpu.memory_space<vmem>>
          %dma_wait3A_106 = tpu.memref_squeeze %dma_wait3A_105 : memref<1x128xi32, #tpu.memory_space<vmem>> -> memref<128xi32, #tpu.memory_space<vmem>>
          %dma_wait3A_107 = arith.constant 0 : i32
          %dma_wait3A_108 = arith.constant 0 : i32
          %dma_wait3A_109 = tpu.memref_slice %arg13[%dma_wait3A_107, %dma_wait3A_108] : memref<10240x128xf32, #tpu.memory_space<vmem_shared>> -> memref<10240x128xf32, #tpu.memory_space<vmem_shared>>
          tpu.wait_indirect_dma semaphore(%run_scoped3A : memref<!tpu.dma_semaphore, #tpu.memory_space<semaphore_mem>>) src(%arg12 : memref<128x128xf32, #tpu.memory_space<vmem>>) dst(%dma_wait3A_109 : memref<10240x128xf32, #tpu.memory_space<vmem_shared>>)
          tpu.yield
        }) : () -> ()
        %dma_wait3A_90 = arith.constant 0 : i32
        %dma_wait3A_91 = tpu.memref_slice %arg7[%add3A_71, %dma_wait3A_90] : memref<20x128xi32, #tpu.memory_space<vmem>> -> memref<1x128xi32, #tpu.memory_space<vmem>>
        %dma_wait3A_92 = tpu.memref_squeeze %dma_wait3A_91 : memref<1x128xi32, #tpu.memory_space<vmem>> -> memref<128xi32, #tpu.memory_space<vmem>>
        %dma_wait3A_93 = arith.constant 0 : i32
        %dma_wait3A_94 = arith.constant 0 : i32
        %dma_wait3A_95 = tpu.memref_slice %arg2[%dma_wait3A_93, %dma_wait3A_94] : memref<10000x64xi32, #tpu.memory_space<hbm>> -> memref<10000x64xi32, #tpu.memory_space<hbm>>
        tpu.wait_indirect_dma semaphore(%arg15 : memref<!tpu.dma_semaphore, #tpu.memory_space<semaphore_mem>>) src(%dma_wait3A_95 : memref<10000x64xi32, #tpu.memory_space<hbm>>) dst(%arg11 : memref<128x64xi32, #tpu.memory_space<vmem>>)
        %mul3A_96 = arith.constant 128 : i32
        %mul3A_97 = arith.muli %add3A_71, %mul3A_96 : i32
        "tpu.region"() ({
          %run_scoped3A = tpu.sem_alloc : memref<!tpu.dma_semaphore, #tpu.memory_space<semaphore_mem>>
          %dma_start3A_98 = arith.constant 0 : i32
          %dma_start3A_99 = tpu.memref_slice %arg8[%add3A_71, %dma_start3A_98] : memref<20x128xi32, #tpu.memory_space<vmem>> -> memref<1x128xi32, #tpu.memory_space<vmem>>
          %dma_start3A_100 = tpu.memref_squeeze %dma_start3A_99 : memref<1x128xi32, #tpu.memory_space<vmem>> -> memref<128xi32, #tpu.memory_space<vmem>>
          %dma_start3A_101 = arith.constant 0 : i32
          %dma_start3A_102 = arith.constant 0 : i32
          %dma_start3A_103 = tpu.memref_slice %arg13[%dma_start3A_101, %dma_start3A_102] : memref<10240x128xf32, #tpu.memory_space<vmem_shared>> -> memref<10240x128xf32, #tpu.memory_space<vmem_shared>>
          tpu.enqueue_indirect_dma source(%arg12 : memref<128x128xf32, #tpu.memory_space<vmem>>) target(%dma_start3A_103 : memref<10240x128xf32, #tpu.memory_space<vmem_shared>>) offsets(%dma_start3A_100 : memref<128xi32, #tpu.memory_space<vmem>>) semaphore(%run_scoped3A : memref<!tpu.dma_semaphore, #tpu.memory_space<semaphore_mem>>) {add = true}
          %dma_wait3A_104 = arith.constant 0 : i32
          %dma_wait3A_105 = tpu.memref_slice %arg8[%add3A_71, %dma_wait3A_104] : memref<20x128xi32, #tpu.memory_space<vmem>> -> memref<1x128xi32, #tpu.memory_space<vmem>>
          %dma_wait3A_106 = tpu.memref_squeeze %dma_wait3A_105 : memref<1x128xi32, #tpu.memory_space<vmem>> -> memref<128xi32, #tpu.memory_space<vmem>>
          %dma_wait3A_107 = arith.constant 0 : i32
          %dma_wait3A_108 = arith.constant 0 : i32
          %dma_wait3A_109 = tpu.memref_slice %arg13[%dma_wait3A_107, %dma_wait3A_108] : memref<10240x128xf32, #tpu.memory_space<vmem_shared>> -> memref<10240x128xf32, #tpu.memory_space<vmem_shared>>
          tpu.wait_indirect_dma semaphore(%run_scoped3A : memref<!tpu.dma_semaphore, #tpu.memory_space<semaphore_mem>>) src(%arg12 : memref<128x128xf32, #tpu.memory_space<vmem>>) dst(%dma_wait3A_109 : memref<10240x128xf32, #tpu.memory_space<vmem_shared>>)
          tpu.yield
        }) : () -> ()
      }
      %scan3A_66 = arith.constant 10 : i32
    }
    %scan3A_34 = arith.constant 4 : i32
    %barrier3A_35 = arith.constant 0 : index
    tpu.barrier barrier_id(%barrier3A_35)
    %mul3A_36 = arith.constant 640 : i32
    %mul3A_37 = arith.muli %arg1, %mul3A_36 : i32
    %add3A_38 = arith.constant 0 : i32
    %add3A_39 = arith.addi %mul3A_37, %add3A_38 : i32
    "tpu.region"() ({
      %run_scoped3A = tpu.sem_alloc : memref<!tpu.dma_semaphore, #tpu.memory_space<semaphore_mem>>
      %dma_start3A = arith.constant 0 : i32
      %dma_start3A_56 = tpu.memref_slice %arg6[%arg0, %add3A_39, %dma_start3A] : memref<2x10240x128xf32, #tpu.memory_space<hbm>> -> memref<1x128x128xf32, #tpu.memory_space<hbm>>
      %dma_start3A_57 = tpu.memref_squeeze %dma_start3A_56 : memref<1x128x128xf32, #tpu.memory_space<hbm>> -> memref<128x128xf32, #tpu.memory_space<hbm>>
      %dma_start3A_58 = arith.constant 0 : i32
      %dma_start3A_59 = tpu.memref_slice %arg13[%add3A_39, %dma_start3A_58] : memref<10240x128xf32, #tpu.memory_space<vmem_shared>> -> memref<128x128xf32, #tpu.memory_space<vmem_shared>>
      tpu.enqueue_dma source(%dma_start3A_59 : memref<128x128xf32, #tpu.memory_space<vmem_shared>>) target(%dma_start3A_57 : memref<128x128xf32, #tpu.memory_space<hbm>>) target_semaphore(%run_scoped3A : memref<!tpu.dma_semaphore, #tpu.memory_space<semaphore_mem>>)
      %dma_wait3A = arith.constant 0 : i32
      %dma_wait3A_60 = tpu.memref_slice %arg6[%arg0, %add3A_39, %dma_wait3A] : memref<2x10240x128xf32, #tpu.memory_space<hbm>> -> memref<1x128x128xf32, #tpu.memory_space<hbm>>
      %dma_wait3A_61 = tpu.memref_squeeze %dma_wait3A_60 : memref<1x128x128xf32, #tpu.memory_space<hbm>> -> memref<128x128xf32, #tpu.memory_space<hbm>>
      %dma_wait3A_62 = arith.constant 0 : i32
      %dma_wait3A_63 = tpu.memref_slice %arg13[%add3A_39, %dma_wait3A_62] : memref<10240x128xf32, #tpu.memory_space<vmem_shared>> -> memref<128x128xf32, #tpu.memory_space<vmem_shared>>
      tpu.wait_dma2 semaphore(%run_scoped3A : memref<!tpu.dma_semaphore, #tpu.memory_space<semaphore_mem>>) src(%dma_wait3A_63 : memref<128x128xf32, #tpu.memory_space<vmem_shared>>) dst(%dma_wait3A_61 : memref<128x128xf32, #tpu.memory_space<hbm>>)
      tpu.yield
    }) : () -> ()
    %mul3A_40 = arith.constant 640 : i32
    %mul3A_41 = arith.muli %arg1, %mul3A_40 : i32
    %add3A_42 = arith.constant 128 : i32
    %add3A_43 = arith.addi %mul3A_41, %add3A_42 : i32
    "tpu.region"() ({
      %run_scoped3A = tpu.sem_alloc : memref<!tpu.dma_semaphore, #tpu.memory_space<semaphore_mem>>
      %dma_start3A = arith.constant 0 : i32
      %dma_start3A_56 = tpu.memref_slice %arg6[%arg0, %add3A_43, %dma_start3A] : memref<2x10240x128xf32, #tpu.memory_space<hbm>> -> memref<1x128x128xf32, #tpu.memory_space<hbm>>
      %dma_start3A_57 = tpu.memref_squeeze %dma_start3A_56 : memref<1x128x128xf32, #tpu.memory_space<hbm>> -> memref<128x128xf32, #tpu.memory_space<hbm>>
      %dma_start3A_58 = arith.constant 0 : i32
      %dma_start3A_59 = tpu.memref_slice %arg13[%add3A_43, %dma_start3A_58] : memref<10240x128xf32, #tpu.memory_space<vmem_shared>> -> memref<128x128xf32, #tpu.memory_space<vmem_shared>>
      tpu.enqueue_dma source(%dma_start3A_59 : memref<128x128xf32, #tpu.memory_space<vmem_shared>>) target(%dma_start3A_57 : memref<128x128xf32, #tpu.memory_space<hbm>>) target_semaphore(%run_scoped3A : memref<!tpu.dma_semaphore, #tpu.memory_space<semaphore_mem>>)
      %dma_wait3A = arith.constant 0 : i32
      %dma_wait3A_60 = tpu.memref_slice %arg6[%arg0, %add3A_43, %dma_wait3A] : memref<2x10240x128xf32, #tpu.memory_space<hbm>> -> memref<1x128x128xf32, #tpu.memory_space<hbm>>
      %dma_wait3A_61 = tpu.memref_squeeze %dma_wait3A_60 : memref<1x128x128xf32, #tpu.memory_space<hbm>> -> memref<128x128xf32, #tpu.memory_space<hbm>>
      %dma_wait3A_62 = arith.constant 0 : i32
      %dma_wait3A_63 = tpu.memref_slice %arg13[%add3A_43, %dma_wait3A_62] : memref<10240x128xf32, #tpu.memory_space<vmem_shared>> -> memref<128x128xf32, #tpu.memory_space<vmem_shared>>
      tpu.wait_dma2 semaphore(%run_scoped3A : memref<!tpu.dma_semaphore, #tpu.memory_space<semaphore_mem>>) src(%dma_wait3A_63 : memref<128x128xf32, #tpu.memory_space<vmem_shared>>) dst(%dma_wait3A_61 : memref<128x128xf32, #tpu.memory_space<hbm>>)
      tpu.yield
    }) : () -> ()
    %mul3A_44 = arith.constant 640 : i32
    %mul3A_45 = arith.muli %arg1, %mul3A_44 : i32
    %add3A_46 = arith.constant 256 : i32
    %add3A_47 = arith.addi %mul3A_45, %add3A_46 : i32
    "tpu.region"() ({
      %run_scoped3A = tpu.sem_alloc : memref<!tpu.dma_semaphore, #tpu.memory_space<semaphore_mem>>
      %dma_start3A = arith.constant 0 : i32
      %dma_start3A_56 = tpu.memref_slice %arg6[%arg0, %add3A_47, %dma_start3A] : memref<2x10240x128xf32, #tpu.memory_space<hbm>> -> memref<1x128x128xf32, #tpu.memory_space<hbm>>
      %dma_start3A_57 = tpu.memref_squeeze %dma_start3A_56 : memref<1x128x128xf32, #tpu.memory_space<hbm>> -> memref<128x128xf32, #tpu.memory_space<hbm>>
      %dma_start3A_58 = arith.constant 0 : i32
      %dma_start3A_59 = tpu.memref_slice %arg13[%add3A_47, %dma_start3A_58] : memref<10240x128xf32, #tpu.memory_space<vmem_shared>> -> memref<128x128xf32, #tpu.memory_space<vmem_shared>>
      tpu.enqueue_dma source(%dma_start3A_59 : memref<128x128xf32, #tpu.memory_space<vmem_shared>>) target(%dma_start3A_57 : memref<128x128xf32, #tpu.memory_space<hbm>>) target_semaphore(%run_scoped3A : memref<!tpu.dma_semaphore, #tpu.memory_space<semaphore_mem>>)
      %dma_wait3A = arith.constant 0 : i32
      %dma_wait3A_60 = tpu.memref_slice %arg6[%arg0, %add3A_47, %dma_wait3A] : memref<2x10240x128xf32, #tpu.memory_space<hbm>> -> memref<1x128x128xf32, #tpu.memory_space<hbm>>
      %dma_wait3A_61 = tpu.memref_squeeze %dma_wait3A_60 : memref<1x128x128xf32, #tpu.memory_space<hbm>> -> memref<128x128xf32, #tpu.memory_space<hbm>>
      %dma_wait3A_62 = arith.constant 0 : i32
      %dma_wait3A_63 = tpu.memref_slice %arg13[%add3A_47, %dma_wait3A_62] : memref<10240x128xf32, #tpu.memory_space<vmem_shared>> -> memref<128x128xf32, #tpu.memory_space<vmem_shared>>
      tpu.wait_dma2 semaphore(%run_scoped3A : memref<!tpu.dma_semaphore, #tpu.memory_space<semaphore_mem>>) src(%dma_wait3A_63 : memref<128x128xf32, #tpu.memory_space<vmem_shared>>) dst(%dma_wait3A_61 : memref<128x128xf32, #tpu.memory_space<hbm>>)
      tpu.yield
    }) : () -> ()
    %mul3A_48 = arith.constant 640 : i32
    %mul3A_49 = arith.muli %arg1, %mul3A_48 : i32
    %add3A_50 = arith.constant 384 : i32
    %add3A_51 = arith.addi %mul3A_49, %add3A_50 : i32
    "tpu.region"() ({
      %run_scoped3A = tpu.sem_alloc : memref<!tpu.dma_semaphore, #tpu.memory_space<semaphore_mem>>
      %dma_start3A = arith.constant 0 : i32
      %dma_start3A_56 = tpu.memref_slice %arg6[%arg0, %add3A_51, %dma_start3A] : memref<2x10240x128xf32, #tpu.memory_space<hbm>> -> memref<1x128x128xf32, #tpu.memory_space<hbm>>
      %dma_start3A_57 = tpu.memref_squeeze %dma_start3A_56 : memref<1x128x128xf32, #tpu.memory_space<hbm>> -> memref<128x128xf32, #tpu.memory_space<hbm>>
      %dma_start3A_58 = arith.constant 0 : i32
      %dma_start3A_59 = tpu.memref_slice %arg13[%add3A_51, %dma_start3A_58] : memref<10240x128xf32, #tpu.memory_space<vmem_shared>> -> memref<128x128xf32, #tpu.memory_space<vmem_shared>>
      tpu.enqueue_dma source(%dma_start3A_59 : memref<128x128xf32, #tpu.memory_space<vmem_shared>>) target(%dma_start3A_57 : memref<128x128xf32, #tpu.memory_space<hbm>>) target_semaphore(%run_scoped3A : memref<!tpu.dma_semaphore, #tpu.memory_space<semaphore_mem>>)
      %dma_wait3A = arith.constant 0 : i32
      %dma_wait3A_60 = tpu.memref_slice %arg6[%arg0, %add3A_51, %dma_wait3A] : memref<2x10240x128xf32, #tpu.memory_space<hbm>> -> memref<1x128x128xf32, #tpu.memory_space<hbm>>
      %dma_wait3A_61 = tpu.memref_squeeze %dma_wait3A_60 : memref<1x128x128xf32, #tpu.memory_space<hbm>> -> memref<128x128xf32, #tpu.memory_space<hbm>>
      %dma_wait3A_62 = arith.constant 0 : i32
      %dma_wait3A_63 = tpu.memref_slice %arg13[%add3A_51, %dma_wait3A_62] : memref<10240x128xf32, #tpu.memory_space<vmem_shared>> -> memref<128x128xf32, #tpu.memory_space<vmem_shared>>
      tpu.wait_dma2 semaphore(%run_scoped3A : memref<!tpu.dma_semaphore, #tpu.memory_space<semaphore_mem>>) src(%dma_wait3A_63 : memref<128x128xf32, #tpu.memory_space<vmem_shared>>) dst(%dma_wait3A_61 : memref<128x128xf32, #tpu.memory_space<hbm>>)
      tpu.yield
    }) : () -> ()
    %mul3A_52 = arith.constant 640 : i32
    %mul3A_53 = arith.muli %arg1, %mul3A_52 : i32
    %add3A_54 = arith.constant 512 : i32
    %add3A_55 = arith.addi %mul3A_53, %add3A_54 : i32
    "tpu.region"() ({
      %run_scoped3A = tpu.sem_alloc : memref<!tpu.dma_semaphore, #tpu.memory_space<semaphore_mem>>
      %dma_start3A = arith.constant 0 : i32
      %dma_start3A_56 = tpu.memref_slice %arg6[%arg0, %add3A_55, %dma_start3A] : memref<2x10240x128xf32, #tpu.memory_space<hbm>> -> memref<1x128x128xf32, #tpu.memory_space<hbm>>
      %dma_start3A_57 = tpu.memref_squeeze %dma_start3A_56 : memref<1x128x128xf32, #tpu.memory_space<hbm>> -> memref<128x128xf32, #tpu.memory_space<hbm>>
      %dma_start3A_58 = arith.constant 0 : i32
      %dma_start3A_59 = tpu.memref_slice %arg13[%add3A_55, %dma_start3A_58] : memref<10240x128xf32, #tpu.memory_space<vmem_shared>> -> memref<128x128xf32, #tpu.memory_space<vmem_shared>>
      tpu.enqueue_dma source(%dma_start3A_59 : memref<128x128xf32, #tpu.memory_space<vmem_shared>>) target(%dma_start3A_57 : memref<128x128xf32, #tpu.memory_space<hbm>>) target_semaphore(%run_scoped3A : memref<!tpu.dma_semaphore, #tpu.memory_space<semaphore_mem>>)
      %dma_wait3A = arith.constant 0 : i32
      %dma_wait3A_60 = tpu.memref_slice %arg6[%arg0, %add3A_55, %dma_wait3A] : memref<2x10240x128xf32, #tpu.memory_space<hbm>> -> memref<1x128x128xf32, #tpu.memory_space<hbm>>
      %dma_wait3A_61 = tpu.memref_squeeze %dma_wait3A_60 : memref<1x128x128xf32, #tpu.memory_space<hbm>> -> memref<128x128xf32, #tpu.memory_space<hbm>>
      %dma_wait3A_62 = arith.constant 0 : i32
      %dma_wait3A_63 = tpu.memref_slice %arg13[%add3A_55, %dma_wait3A_62] : memref<10240x128xf32, #tpu.memory_space<vmem_shared>> -> memref<128x128xf32, #tpu.memory_space<vmem_shared>>
      tpu.wait_dma2 semaphore(%run_scoped3A : memref<!tpu.dma_semaphore, #tpu.memory_space<semaphore_mem>>) src(%dma_wait3A_63 : memref<128x128xf32, #tpu.memory_space<vmem_shared>>) dst(%dma_wait3A_61 : memref<128x128xf32, #tpu.memory_space<hbm>>)
      tpu.yield
    }) : () -> ()
    return
  }
}

module attributes {stable_mosaic.version = 14 : i64} {
  func.func @body(%arg0: i32, %arg1: memref<1000x128xf32, #tpu.memory_space<vmem>>, %arg2: memref<1000x128xf32, #tpu.memory_space<vmem>>, %arg3: memref<128x128xf32, #tpu.memory_space<vmem>>, %arg4: memref<1x128xf32, #tpu.memory_space<vmem>>, %arg5: memref<1x128xf32, #tpu.memory_space<vmem>>, %arg6: memref<1x128xf32, #tpu.memory_space<vmem>>, %arg7: memref<1000x128xf32, #tpu.memory_space<vmem>>) attributes {dimension_semantics = [#tpu.dimension_semantics<arbitrary>], iteration_bounds = array<i64: 10>, scalar_prefetch = 0 : i64, scratch_operands = 0 : i64, tpu.core_type = #tpu.core_type<tc>, window_params = [{transform_indices = @transform_0, window_bounds = array<i64: 1000, 128>}, {transform_indices = @transform_1, window_bounds = array<i64: 1000, 128>}, {pipeline_mode = #tpu.pipeline_mode<synchronous>, transform_indices = @transform_2, window_bounds = array<i64: 128, 128>}, {pipeline_mode = #tpu.pipeline_mode<synchronous>, transform_indices = @transform_3, window_bounds = array<i64: 1, 128>}, {pipeline_mode = #tpu.pipeline_mode<synchronous>, transform_indices = @transform_4, window_bounds = array<i64: 1, 128>}, {pipeline_mode = #tpu.pipeline_mode<synchronous>, transform_indices = @transform_5, window_bounds = array<i64: 1, 128>}, {transform_indices = @transform_6, window_bounds = array<i64: 1000, 128>}]} {
    %get3A = arith.constant 0 : index
    %get3A_0 = arith.constant 0 : index
    %get3A_1 = vector.load %arg1[%get3A, %get3A_0] : memref<1000x128xf32, #tpu.memory_space<vmem>>, vector<1000x128xf32>
    %get3A_2 = arith.constant 0 : index
    %get3A_3 = arith.constant 0 : index
    %get3A_4 = vector.load %arg2[%get3A_2, %get3A_3] : memref<1000x128xf32, #tpu.memory_space<vmem>>, vector<1000x128xf32>
    %add3A = arith.addf %get3A_1, %get3A_4 : vector<1000x128xf32>
    %get3A_5 = arith.constant 0 : index
    %get3A_6 = arith.constant 0 : index
    %get3A_7 = vector.load %arg3[%get3A_5, %get3A_6] : memref<128x128xf32, #tpu.memory_space<vmem>>, vector<128x128xf32>
    %dot_general3A = arith.constant dense<0.000000e+00> : vector<1000x128xf32>
    %dot_general3A_8 = tpu.matmul %add3A, %get3A_7, %dot_general3A {dimension_numbers = #tpu.dot_dimension_numbers<[1], [1], [0], [0], [0, 0, 1, 0], [], []>, precision = #tpu.contract_precision<fp32>, transpose_lhs_hint = false} : vector<1000x128xf32>, vector<128x128xf32>, vector<1000x128xf32> -> vector<1000x128xf32>
    %get3A_9 = arith.constant 0 : index
    %get3A_10 = arith.constant 0 : index
    %get3A_11 = vector.load %arg4[%get3A_9, %get3A_10] : memref<1x128xf32, #tpu.memory_space<vmem>>, vector<1x128xf32>
    %add3A_12 = vector.broadcast %get3A_11 : vector<1x128xf32> to vector<1000x128xf32>
    %add3A_13 = arith.addf %dot_general3A_8, %add3A_12 : vector<1000x128xf32>
    %gt3A = arith.constant 0.000000e+00 : f32
    %gt3A_14 = vector.broadcast %gt3A : f32 to vector<1000x128xf32>
    %gt3A_15 = arith.cmpf ogt, %add3A_13, %gt3A_14 : vector<1000x128xf32>
    %min3A = arith.constant 0.000000e+00 : f32
    %min3A_16 = vector.broadcast %min3A : f32 to vector<1000x128xf32>
    %min3A_17 = arith.minimumf %add3A_13, %min3A_16 : vector<1000x128xf32>
    %exp3A = math.exp %min3A_17 : vector<1000x128xf32>
    %sub3A = arith.constant 1.000000e+00 : f32
    %sub3A_18 = vector.broadcast %sub3A : f32 to vector<1000x128xf32>
    %sub3A_19 = arith.subf %exp3A, %sub3A_18 : vector<1000x128xf32>
    %select_n3A = arith.select %gt3A_15, %add3A_13, %sub3A_19 : vector<1000x128xi1>, vector<1000x128xf32>
    %reduce_sum3A = arith.constant dense<0.000000e+00> : vector<1000xf32>
    %reduce_sum3A_20 = vector.multi_reduction <add>, %select_n3A, %reduce_sum3A [1] : vector<1000x128xf32> to vector<1000xf32>
    %broadcast_in_dim3A = vector.shape_cast %reduce_sum3A_20 : vector<1000xf32> to vector<1000x1xf32>
    %div3A = arith.constant 1.280000e+02 : f32
    %div3A_21 = vector.broadcast %div3A : f32 to vector<1000x1xf32>
    %div3A_22 = arith.divf %broadcast_in_dim3A, %div3A_21 : vector<1000x1xf32>
    %sub3A_23 = vector.broadcast %div3A_22 : vector<1000x1xf32> to vector<1000x128xf32>
    %sub3A_24 = arith.subf %select_n3A, %sub3A_23 : vector<1000x128xf32>
    %mul3A = arith.mulf %sub3A_24, %sub3A_24 : vector<1000x128xf32>
    %reduce_sum3A_25 = arith.constant dense<0.000000e+00> : vector<1000xf32>
    %reduce_sum3A_26 = vector.multi_reduction <add>, %mul3A, %reduce_sum3A_25 [1] : vector<1000x128xf32> to vector<1000xf32>
    %broadcast_in_dim3A_27 = vector.shape_cast %reduce_sum3A_26 : vector<1000xf32> to vector<1000x1xf32>
    %div3A_28 = arith.constant 1.280000e+02 : f32
    %div3A_29 = vector.broadcast %div3A_28 : f32 to vector<1000x1xf32>
    %div3A_30 = arith.divf %broadcast_in_dim3A_27, %div3A_29 : vector<1000x1xf32>
    %add3A_31 = arith.constant 9.99999971E-10 : f32
    %add3A_32 = vector.broadcast %add3A_31 : f32 to vector<1000x1xf32>
    %add3A_33 = arith.addf %div3A_30, %add3A_32 : vector<1000x1xf32>
    %get3A_34 = arith.constant 0 : index
    %get3A_35 = arith.constant 0 : index
    %get3A_36 = vector.load %arg5[%get3A_34, %get3A_35] : memref<1x128xf32, #tpu.memory_space<vmem>>, vector<1x128xf32>
    %mul3A_37 = vector.broadcast %get3A_36 : vector<1x128xf32> to vector<1000x128xf32>
    %mul3A_38 = arith.mulf %sub3A_24, %mul3A_37 : vector<1000x128xf32>
    %rsqrt3A = math.rsqrt %add3A_33 : vector<1000x1xf32>
    %mul3A_39 = vector.broadcast %rsqrt3A : vector<1000x1xf32> to vector<1000x128xf32>
    %mul3A_40 = arith.mulf %mul3A_38, %mul3A_39 : vector<1000x128xf32>
    %get3A_41 = arith.constant 0 : index
    %get3A_42 = arith.constant 0 : index
    %get3A_43 = vector.load %arg6[%get3A_41, %get3A_42] : memref<1x128xf32, #tpu.memory_space<vmem>>, vector<1x128xf32>
    %add3A_44 = vector.broadcast %get3A_43 : vector<1x128xf32> to vector<1000x128xf32>
    %add3A_45 = arith.addf %mul3A_40, %add3A_44 : vector<1000x128xf32>
    %swap3A = arith.constant 0 : index
    %swap3A_46 = arith.constant 0 : index
    %swap3A_47 = vector.load %arg7[%swap3A, %swap3A_46] : memref<1000x128xf32, #tpu.memory_space<vmem>>, vector<1000x128xf32>
    tpu.vector_store %arg7[%swap3A, %swap3A_46], %add3A_45 {strides = array<i32>} : memref<1000x128xf32, #tpu.memory_space<vmem>>, vector<1000x128xf32>,
    return
  }
  func.func @transform_0(%arg0: i32) -> (i32, i32) {
    %c0_i32 = arith.constant 0 : i32
    %c0_i32_0 = arith.constant 0 : i32
    return %arg0, %c0_i32 : i32, i32
  }
  func.func @transform_1(%arg0: i32) -> (i32, i32) {
    %c0_i32 = arith.constant 0 : i32
    %c0_i32_0 = arith.constant 0 : i32
    return %arg0, %c0_i32 : i32, i32
  }
  func.func @transform_2(%arg0: i32) -> (i32, i32) {
    %c0_i32 = arith.constant 0 : i32
    %c0_i32_0 = arith.constant 0 : i32
    %c0_i32_1 = arith.constant 0 : i32
    return %c0_i32, %c0_i32_0 : i32, i32
  }
  func.func @transform_3(%arg0: i32) -> (i32, i32) {
    %c0_i32 = arith.constant 0 : i32
    %c0_i32_0 = arith.constant 0 : i32
    %c0_i32_1 = arith.constant 0 : i32
    return %c0_i32, %c0_i32_0 : i32, i32
  }
  func.func @transform_4(%arg0: i32) -> (i32, i32) {
    %c0_i32 = arith.constant 0 : i32
    %c0_i32_0 = arith.constant 0 : i32
    %c0_i32_1 = arith.constant 0 : i32
    return %c0_i32, %c0_i32_0 : i32, i32
  }
  func.func @transform_5(%arg0: i32) -> (i32, i32) {
    %c0_i32 = arith.constant 0 : i32
    %c0_i32_0 = arith.constant 0 : i32
    %c0_i32_1 = arith.constant 0 : i32
    return %c0_i32, %c0_i32_0 : i32, i32
  }
  func.func @transform_6(%arg0: i32) -> (i32, i32) {
    %c0_i32 = arith.constant 0 : i32
    %c0_i32_0 = arith.constant 0 : i32
    return %arg0, %c0_i32 : i32, i32
  }
}

</mosaic_0001>

<sc_bundles>
// kernel: kernel.4.cloned.1.call-start
scs
__scs_entry_jumppad:
0x0: {  	(pc) =	sbr.rel $0x88, $3  }
0x1: {  	(tag) =	ssettag $0x0;
	lr =	simm.s32 $0x1  }
0x2: {  	[smem:$0x3F9A] =	sst lr;
	_ =	strace $0xD0000000  }
0x3: {  	_ = 	snop  }
0x4: {  	_ = 	snop  }
0x5: {  	_ = 	snop  }
0x6: {  	_ = 	snop  }
0x7: {  	_ = 	snop  }
__scs_overlays_trampoline_lowered:
0x8: {  	[smem:$0x3FA9] =	sst s0  }
0x9: {  	[smem:$0x3FAA] =	sst s1  }
0xa: {  	[smem:$0x3FAB] =	sst s2  }
0xb: {  	[smem:$0x3FAC] =	sst s3  }
0xc: {  	[smem:$0x3FAD] =	sst s4  }
0xd: {  	[smem:$0x3FAE] =	sst s5  }
0xe: {  	[smem:$0x3FAF] =	sst s6  }
0xf: {  	[smem:$0x3FB0] =	sst s7  }
0x10: {  	[smem:$0x3FB1] =	sst s8  }
0x11: {  	[smem:$0x3FB2] =	sst s9;
	s0 =	simm.s32 @!p0 $0x0  }
0x12: {  	s1 =	sld [smem:$0x3F98];
	s0 =	simm.s32 @p0 $0x1  }
0x13: {  	[smem:$0x3FB3] =	sst s0;
	s0 =	simm.s32 @!p1 $0x0  }
0x14: {  	s2 =	sld [smem:$0x3F97];
	s0 =	simm.s32 @p1 $0x1  }
0x15: {  	[smem:$0x3FB4] =	sst s0;
	s0 =	simm.s32 @!p2 $0x0  }
0x16: {  	s3 =	sld [smem:$0x3FDB];
	s0 =	simm.s32 @p2 $0x1  }
0x17: {  	s4 =	simm.s32 $0x1BF5;
	[smem:$0x3FB6] =	sst s0  }
0x18: {  	s0 =	sld [smem:$0x3F99];
	_ =	swait.ge [sflag:s4], $0x0  }
0x19: {  	s7 =	sld [smem:$0x3F9A]  }
0x1a: {  	s8 =	sadd.s32 $0xFFFFE003, lr  }
0x1b: {  	s9 =	sadd.s32 $0xFFFFFEF7, lr;
	s5 =	simm.s32 $0xFFFFFFFF;
	p2 =	slt.u32 s8, $0xFFFFF086  }
0x1c: {  	p1 =	slt.u32 s9, $0xF7A;
	s5 =	simm.s32 @!p2 $0x0  }
0x1d: {  	s5 =	simm.s32 @p1 $0x1;
	p0 =	seq.s32 s7, s2  }
0x1e: {  	s7 =	smul.u32 @!p0 $0xF7A, s2;
	p2 =	seq.s32 @!p0 s5, $0x0  }
0x1f: {  	s9 =	smul.u32 $0xF7A, s1;
	s8 =	simm.s32 @!p0 $0x1BF5;
	p2 =	por !p2, p0  }
0x20: {  	[sflag:s8] =	ssyncset.s32 @!p0 $0xFFFFF086;
	s6 =	sadd.s32 @!p0 s3, s7;
	s7 =	simm.s32 @!p0 $0x108  }
0x21: {  	s3 =	sadd.s32 s3, s9;
	s6 =	sadd.s32 @!p0 $0x88, s6;
	s7 =	simm.s32 @p2 $0x1082  }
0x22: {  	[simem:s7], [sflag:s8] =	dma.local @!p0 [hbm:s6], $0xF7A  }
0x23: {  	s9 =	sor.u32 $0xD0000000, s2;
	s6 =	simm.s32 $0x108;
	_ =	swait.ge @!p0 [sflag:s8], $0x0  }
0x24: {  	s3 =	sadd.s32 $0x88, s3;
	s6 =	simm.s32 @!p1 $0x1082;
	[sflag:s4] =	ssyncset.s32 $0xFFFFF086  }
0x25: {  	[simem:s6], [sflag:s4] =	dma.local [hbm:s3], $0xF7A  }
0x26: {  	[smem:$0x3F9A] =	sst s1;
	(tag) =	ssettag s2;
	_ =	strace s9  }
0x27: {  	s1 =	sld [smem:$0x3FAA]  }
0x28: {  	s2 =	sld [smem:$0x3FAB]  }
0x29: {  	s4 =	sld [smem:$0x3FAD]  }
0x2a: {  	p0 =	seq.s32 s5, $0x0;
	s5 =	sld [smem:$0x3FAE]  }
0x2b: {  	s6 =	sld [smem:$0x3FAF]  }
0x2c: {  	s7 =	sld [smem:$0x3FB0]  }
0x2d: {  	s3 =	simm.s32 $0x108;
	s8 =	sld [smem:$0x3FB1]  }
0x2e: {  	s3 =	simm.s32 @!p0 $0x1082;
	s9 =	sld [smem:$0x3FB2]  }
0x2f: {  	lr =	sadd.s32 s0, s3;
	s0 =	sld [smem:$0x3FA9]  }
0x30: {  	s3 =	sld [smem:$0x3FAC]  }
0x31: {  	[smem:$0x3FB5] =	sst s10  }
0x32: {  	s10 =	sld [smem:$0x3FB3];
	_ =	sdelay $0x3  }
0x33: {  	p0 =	seq.s32 s10, $0x1;
	s10 =	sld [smem:$0x3FB5];
	_ =	sdelay $0x3  }
0x34: {  	[smem:$0x3FB5] =	sst s10  }
0x35: {  	s10 =	sld [smem:$0x3FB4];
	_ =	sdelay $0x3  }
0x36: {  	p1 =	seq.s32 s10, $0x1;
	s10 =	sld [smem:$0x3FB5];
	_ =	sdelay $0x3  }
0x37: {  	[smem:$0x3FB5] =	sst s10  }
0x38: {  	s10 =	sld [smem:$0x3FB6]  }
0x39: {  	_ = 	snop;
	(pc) =	sbr.ind lr, $3  }
0x3a: {  	_ = 	snop  }
0x3b: {  	_ = 	snop  }
0x3c: {  	p2 =	seq.s32 s10, $0x1;
	s10 =	sld [smem:$0x3FB5]  }
0x3d: {  	_ =	shalt  }
0x3e: {  	_ =	shalt  }
0x3f: {  	_ =	shalt  }
0x40: {  	_ =	shalt  }
0x41: {  	_ =	shalt  }
0x42: {  	_ =	shalt  }
0x43: {  	_ =	shalt  }
0x44: {  	_ =	shalt  }
0x45: {  	_ =	shalt  }
0x46: {  	_ =	shalt  }
0x47: {  	_ =	shalt  }
0x48: {  	_ =	shalt  }
0x49: {  	_ =	shalt  }
0x4a: {  	_ =	shalt  }
0x4b: {  	_ =	shalt  }
0x4c: {  	_ =	shalt  }
0x4d: {  	_ =	shalt  }
0x4e: {  	_ =	shalt  }
0x4f: {  	_ =	shalt  }
0x50: {  	_ =	shalt  }
0x51: {  	_ =	shalt  }
0x52: {  	_ =	shalt  }
0x53: {  	_ =	shalt  }
0x54: {  	_ =	shalt  }
0x55: {  	_ =	shalt  }
0x56: {  	_ =	shalt  }
0x57: {  	_ =	shalt  }
0x58: {  	_ =	shalt  }
0x59: {  	_ =	shalt  }
0x5a: {  	_ =	shalt  }
0x5b: {  	_ =	shalt  }
0x5c: {  	_ =	shalt  }
0x5d: {  	_ =	shalt  }
0x5e: {  	_ =	shalt  }
0x5f: {  	_ =	shalt  }
0x60: {  	_ =	shalt  }
0x61: {  	_ =	shalt  }
0x62: {  	_ =	shalt  }
0x63: {  	_ =	shalt  }
0x64: {  	_ =	shalt  }
0x65: {  	_ =	shalt  }
0x66: {  	_ =	shalt  }
0x67: {  	_ =	shalt  }
0x68: {  	_ =	shalt  }
0x69: {  	_ =	shalt  }
0x6a: {  	_ =	shalt  }
0x6b: {  	_ =	shalt  }
0x6c: {  	_ =	shalt  }
0x6d: {  	_ =	shalt  }
0x6e: {  	_ =	shalt  }
0x6f: {  	_ =	shalt  }
0x70: {  	_ =	shalt  }
0x71: {  	_ =	shalt  }
0x72: {  	_ =	shalt  }
0x73: {  	_ =	shalt  }
0x74: {  	_ =	shalt  }
0x75: {  	_ =	shalt  }
0x76: {  	_ =	shalt  }
0x77: {  	_ =	shalt  }
0x78: {  	_ =	shalt  }
0x79: {  	_ =	shalt  }
0x7a: {  	_ =	shalt  }
0x7b: {  	_ =	shalt  }
0x7c: {  	_ =	shalt  }
0x7d: {  	_ =	shalt  }
0x7e: {  	_ =	shalt  }
0x7f: {  	_ =	shalt  }
0x80: {  	_ =	shalt  }
0x81: {  	_ =	shalt  }
0x82: {  	_ =	shalt  }
0x83: {  	_ =	shalt  }
0x84: {  	_ =	shalt  }
0x85: {  	_ =	shalt  }
0x86: {  	_ =	shalt  }
0x87: {  	_ =	shalt  }
.Lfunc_end0:
.L_simem_size_0:
called_computation_lowered:
.L_overlay_start_0:
0x88: {  	s2 =	sld [smem:$0x3FD9]  }
0x89: {  	s3 =	sld [smem:$0x3FFE];
	_ =	sdelay $0x1  }
0x8a: {  	s1 =	srdreg.scid  }
0x8b: {  	s0 =	sand.u32 $0x1, s1  }
0x8c: {  	s17 =	sshll.u32 s0, $0xA;
	s2 =	sadd.s32 s3, s2  }
0x8d: {  	s2 =	sadd.s32 s2, s17  }
0x8e: {  	[smem:$0x3FC1] =	sst s2  }
0x8f: {  	_ = 	snop  }
0x90: {  	s2 =	sld [smem:$0x3FD0];
	(tm) =	ssettm $0x1  }
0x91: {  	s18 =	sld [smem:$0x3FFB];
	_ =	sdelay $0x3  }
0x92: {  	_ =	strace s18  }
0x93: {  	s3 =	sld [smem:$0x3FFC];
	_ =	sdelay $0x3  }
0x94: {  	_ =	strace s3  }
0x95: {  	s3 =	sld [smem:$0x3FFD];
	_ =	sdelay $0x3  }
0x96: {  	_ =	strace s3  }
0x97: {  	_ =	strace $0x8FFFFFFF  }
0x98: {  	s19 =	sld [smem:$0x3FDB];
	_ =	sdelay $0x1  }
0x99: {  	s4 =	simm.s32 $_scs_section_size  }
0x9a: {  	s5 =	simm.s32 $_size__tile_overlayer_lowered;
	s6 =	simm.s32 $_tile_overlayer_lowered  }
0x9b: {  	s22 =	simm.s32 $0x1BFF;
	s21 =	sshll.u32 s6, $0x1;
	s3 =	sadd.s32 s4, s19  }
0x9c: {  	s7 =	simm.s32 $0x0;
	s20 =	sshll.u32 s5, $0x1;
	s5 =	sadd.s32 s21, s3  }
0x9d: {  	[timem:s7], [sflag:s22] =	dma.local [hbm:s5], s20  }
0x9e: {  	_ =	swait.ge [sflag:s22], s20  }
0x9f: {  	s4 =	ssub.s32 $0x0, s20;
	[sflag:s22] =	ssyncset.done $0x0  }
0xa0: {  	[sflag:s22] =	ssyncadd.s32 s4;
	_ =	sdelay $0x1  }
0xa1: {  	s23 =	simm.s32 $0x1B8B  }
0xa2: {  	_ =	swait.ge [sflag:s23], $0x1  }
0xa3: {  	[sflag:s23] =	ssyncset.done $0x0  }
0xa4: {  	s25 =	simm.s32 $0x1B8E;
	s24 =	sld [smem:$0x3FFE];
	[sflag:s23] =	ssyncadd.s32 $0xFFFFFFFF  }
0xa5: {  	s26 =	simm.s32 $execute0_lowered;
	[smem:$0x3FD2] =	sst s25  }
0xa6: {  	s5 =	sshll.u32 s26, $0x1;
	_ =	strace $0x80000046;
	[dreg:$0x1] =	wrdreg $0xFFFFFFFF  }
0xa7: {  	s28 =	simm.s32 $_size_execute0_lowered;
	s3 =	sadd.s32 s3, s5;
	[dreg:$0x0] =	wrdreg $0x0  }
0xa8: {  	s5 =	sshll.u32 s28, $0x1;
	[dreg:$0x2] =	wrdreg s3  }
0xa9: {  	[dreg:$0x3] =	wrdreg s5  }
0xaa: {  	[dreg:$0x4] =	wrdreg $0xC0  }
0xab: {  	_ =	task [dreg:s7], $0x5FFFF  }
0xac: {  	[dreg:$0x1] =	wrdreg $0xFFFFFFFF  }
0xad: {  	[dreg:$0x0] =	wrdreg $0x60  }
0xae: {  	[dreg:$0x2] =	wrdreg s2  }
0xaf: {  	[dreg:$0x3] =	wrdreg s24  }
0xb0: {  	[dreg:$0x4] =	wrdreg $0x9E000  }
0xb1: {  	[dreg:$0x5] =	wrdreg $0x9  }
0xb2: {  	_ =	task.clear_ibuf [dreg:s7], $0x6FFFF;
	_ =	strace $0x90000046  }
0xb3: {  	s29 =	simm.s32 $0x9;
	_ =	strace $0x80000048  }
0xb4: {  	_ =	swait.ge [sflag:s29], $0x1  }
0xb5: {  	[sflag:s29] =	ssyncadd.s32 $0xFFFFFFFF  }
0xb6: {  	_ =	strace $0x90000048  }
0xb7: {  	_ =	sfence  }
0xb8: {  	s30 =	sld [smem:$0x0];
	_ =	sdelay $0x2  }
0xb9: {  	s31 =	sshll.u32 s1, $0xD;
	s1 =	sshrl.u32 s1, $0x2  }
0xba: {  	s3 =	sand.u32 $0x4000, s31;
	s1 =	sadd.s32 s1, s30  }
0xbb: {  	s0 =	sor.u32 s3, s0;
	s1 =	sshll.u32 s1, $0x11  }
0xbc: {  	s0 =	sor.u32 s1, s0  }
0xbd: {  	s0 =	sadd.s32 $0x8F2B, s0  }
0xbe: {  	[sflag:s0] =	ssyncadd.remote.s32 $0x1  }
0xbf: {  	_ =	sfence.sel $0xFFFF  }
0xc0: {  	[dreg:$0x0] =	wrdreg $0xFFFFFFFF;
	(pc) =	sbr.abs _section_cstart, $3  }
0xc1: {  	[dreg:$0x1] =	wrdreg $0xFFFFFFFF  }
0xc2: {  	_ =	task.clear_ibuf [dreg:s7], $0x2FFFF;
	_ =	strace $0x9FFFFFFF  }
0xc3: {  	(tm) =	ssettm $0x7FFFFFFF  }
tec
execute0_lowered:
.L_overlay_start_1:
0x0: {  	(tag) =	ssettag $0x1  }
0x1: {  	s0 =	rddreg [dreg:$0x0]  }
0x2: {  	s1 =	rddreg [dreg:$0x1];
	s2 =	srdreg.scid  }
0x3: {  	s3 =	rddreg [dreg:$0x2];
	s8 =	stileid.u32;
	s4 =	simm.s32 $0x0  }
0x4: {  	s18 =	simm.s32 $0x1400;
	s19 =	simm.s32 $0xA80;
	s20 =	simm.s32 $0x100  }
0x5: {  	s21 =	simm.s32 $0x180;
	s22 =	simm.s32 $0xB00;
	[smem:$0x7FF] =	sst s4  }
0x6: {  	s23 =	simm.s32 $0xB80;
	_ =	strace $0x80000047;
	[dreg:$0x7] =	wrdreg s18  }
0x7: {  	s25 =	simm.s32 $0x200;
	s26 =	simm.s32 $0x280;
	[dreg:$0x8] =	wrdreg s19  }
0x8: {  	s28 =	simm.s32 $0x700;
	s29 =	simm.s32 $0x780;
	[dreg:$0x9] =	wrdreg s20  }
0x9: {  	s30 =	simm.s32 $0x1100;
	s6 =	smul.u32 $0x2800, s8;
	[dreg:$0xa] =	wrdreg s21  }
0xa: {  	s2 =	sand.u32 $0x1, s2;
	s8 =	smul.u32 $0x14000, s8;
	[dreg:$0xb] =	wrdreg s22  }
0xb: {  	s31 =	simm.s32 $0x1180;
	s5 =	smul.u32 $0x28000, s2;
	[dreg:$0xc] =	wrdreg s23  }
0xc: {  	s12 =	ssub.s32 $0x2, s2;
	s2 =	smul.u32 $0x140000, s2;
	[dreg:$0xd] =	wrdreg s25  }
0xd: {  	[dreg:$0xe] =	wrdreg s26;
	s19 =	simm.s32 $0x480;
	s20 =	simm.s32 $0xE00  }
0xe: {  	s21 =	simm.s32 $0xE80;
	s22 =	simm.s32 $0x500;
	s23 =	simm.s32 $0x580  }
0xf: {  	s25 =	simm.s32 $0xF80;
	s26 =	simm.s32 $0x600;
	[dreg:$0x16] =	wrdreg s19  }
0x10: {  	s7 =	sshrl.u32 s12, $0x1;
	s13 =	sadd.s32 s8, s3;
	[dreg:$0x17] =	wrdreg s20  }
0x11: {  	s14 =	sadd.s32 $0x4000, s8;
	s10 =	sadd.s32 $0x8000, s8;
	[dreg:$0x18] =	wrdreg s21  }
0x12: {  	s11 =	sadd.s32 $0xC000, s8;
	s19 =	simm.s32 $0x80;
	[dreg:$0x19] =	wrdreg s22  }
0x13: {  	s20 =	simm.s32 $0x1E00;
	[dreg:$0x1a] =	wrdreg s23;
	s21 =	simm.s32 $0x3E00  }
0x14: {  	s22 =	simm.s32 $0x1;
	[dreg:$0x1c] =	wrdreg s25;
	s23 =	simm.s32 $0x2  }
0x15: {  	[dreg:$0x1d] =	wrdreg s26;
	s25 =	simm.s32 $0x1000;
	s26 =	simm.s32 $0x1080  }
0x16: {  	s5 =	sadd.s32 s6, s5;
	s6 =	ssub.s32 s12, s7;
	[dreg:$0x1e] =	wrdreg s13  }
0x17: {  	s9 =	sadd.s32 s14, s3;
	s15 =	sadd.s32 s10, s3;
	s16 =	sadd.s32 s11, s3  }
0x18: {  	s12 =	sadd.s32 $0x10000, s8;
	s8 =	sadd.s32 s8, s2;
	[dreg:$0x1f] =	wrdreg s9  }
0x19: {  	s7 =	sadd.s32 s2, s14;
	s24 =	sadd.s32 s2, s10;
	[smem:$0x7F5] =	sst s15  }
0x1a: {  	s10 =	sadd.s32 s2, s11;
	s11 =	simm.s32 $0xC80;
	[smem:$0x7F6] =	sst s16  }
0x1b: {  	s14 =	simm.s32 $0x380;
	s5 =	sshrl.u32 s5, $0x3;
	[dreg:$0x10] =	wrdreg s11  }
0x1c: {  	s9 =	sadd.s32 s12, s3;
	[dreg:$0x12] =	wrdreg s14;
	s15 =	simm.s32 $0xD00  }
0x1d: {  	s8 =	sshrl.u32 s8, $0x3;
	s16 =	simm.s32 $0xD80;
	[dreg:$0x13] =	wrdreg s15  }
0x1e: {  	s7 =	sshrl.u32 s7, $0x3;
	s18 =	smax.u32 s6, $0x1;
	[dreg:$0x14] =	wrdreg s16  }
0x1f: {  	s2 =	sadd.s32 s2, s12;
	s5 =	sadd.s32 s5, s1;
	[smem:$0x7FC] =	sst s18  }
0x20: {  	s11 =	simm.s32 $0x1280;
	[smem:$0x7FD] =	sst s9;
	s17 =	sadd.s32 $0x14600, s5  }
0x21: {  	s12 =	simm.s32 $0x900;
	s13 =	sadd.s32 $0x600, s5;
	[dreg:$0x4] =	wrdreg s17  }
0x22: {  	s1 =	sadd.s32 $0x1E600, s1;
	s5 =	sadd.s32 $0xA600, s5;
	[dreg:$0x5] =	wrdreg s13  }
0x23: {  	s14 =	simm.s32 $0x1300;
	s8 =	sadd.s32 s1, s8;
	[dreg:$0x6] =	wrdreg s5  }
0x24: {  	s6 =	simm.s32 $0x0;
	s7 =	sadd.s32 s1, s7;
	[smem:$0x7F7] =	sst s8  }
0x25: {  	s2 =	sshrl.u32 s2, $0x3;
	[smem:$0x7F8] =	sst s7;
	s8 =	simm.s32 $0xC00  }
0x26: {  	s16 =	simm.s32 $0x5E00;
	s13 =	simm.s32 $0x300;
	[dreg:$0xf] =	wrdreg s8  }
0x27: {  	s18 =	simm.s32 $0xA00;
	s17 =	simm.s32 $0x400;
	[dreg:$0x11] =	wrdreg s13  }
0x28: {  	s7 =	sshrl.u32 s24, $0x3;
	s24 =	simm.s32 $0xF00;
	[dreg:$0x15] =	wrdreg s17  }
0x29: {  	s15 =	simm.s32 $0x1380;
	s7 =	sadd.s32 s1, s7;
	[dreg:$0x1b] =	wrdreg s24  }
0x2a: {  	s17 =	simm.s32 $0x3;
	[smem:$0x7F9] =	sst s7;
	s7 =	sshrl.u32 s10, $0x3  }
0x2b: {  	s24 =	simm.s32 $0x680;
	s13 =	simm.s32 $0x980;
	s7 =	sadd.s32 s1, s7  }
0x2c: {  	s10 =	simm.s32 $0x1200;
	s1 =	sadd.s32 s1, s2;
	[smem:$0x7FA] =	sst s7  }
0x2d: {  	v0 =	vimm.f32 $0.0e+00;
	s2 =	simm.s32 $0x880;
	[smem:$0x7FB] =	sst s1;
	s1 =	simm.s32 $0x800  }
.LBB2_1:
0x2e: {  	[smem:$0x7F4] =	sst s6;
	s6 =	simm.s32 $0x0;
	s7 =	simm.s32 $0x200  }
.LBB2_2:
0x2f: {  	p0 =	sne.s32 s7, $0xFE00;
	[tilespmem:s6+$0x5E70] =	vst v0  }
0x30: {  	[tilespmem:s6+$0x5E00] =	vst v0  }
0x31: {  	[tilespmem:s6+$0x5E10] =	vst v0  }
.Ltmp0:
0x32: {  	[tilespmem:s6+$0x5E20] =	vst v0;
	(pc) =	sbr.rel @p0 .LBB2_2-.Ltmp0, $4  }
0x33: {  	[tilespmem:s6+$0x5E30] =	vst v0  }
0x34: {  	[tilespmem:s6+$0x5E40] =	vst v0  }
0x35: {  	[tilespmem:s6+$0x5E50] =	vst v0  }
0x36: {  	[tilespmem:s6+$0x5E60] =	vst v0;
	s6 =	sshra.s32 s7, $0x2;
	s7 =	sadd.s32 $0x200, s7  }
0x37: {  	[tilespmem:s6+$0x5E70] =	vst v0  }
0x38: {  	[tilespmem:s6+$0x5E00] =	vst v0  }
0x39: {  	[tilespmem:s6+$0x5E10] =	vst v0  }
0x3a: {  	[tilespmem:s6+$0x5E20] =	vst v0  }
0x3b: {  	[tilespmem:s6+$0x5E30] =	vst v0  }
0x3c: {  	[tilespmem:s6+$0x5E40] =	vst v0  }
0x3d: {  	[tilespmem:s6+$0x5E50] =	vst v0  }
0x3e: {  	[tilespmem:s6+$0x5E60] =	vst v0;
	s5 =	rddreg [dreg:$0x1e]  }
0x3f: {  	[spmem:s5] =	stream.linear.scatter [tilespmem:s16], [sflag:$0x3], $0x4000, $0x38;
	[tilespmem:$0x1DE00] =	vst v63  }
0x40: {  	_ =	swait.ge [sflag:s17], $0x4000  }
0x41: {  	[sflag:s17] =	ssyncset.done $0x0  }
0x42: {  	s8 =	rddreg [dreg:$0x1f];
	[sflag:s17] =	ssyncadd.s32 $0xFFFFC000  }
0x43: {  	[spmem:s8] =	stream.linear.scatter [tilespmem:s16], [sflag:$0x3], $0x4000, $0x38;
	[tilespmem:$0x1DE00] =	vst v63  }
0x44: {  	_ =	swait.ge [sflag:s17], $0x4000  }
0x45: {  	s6 =	sld [smem:$0x7F5]  }
0x46: {  	[sflag:s17] =	ssyncset.done $0x0  }
0x47: {  	[sflag:s17] =	ssyncadd.s32 $0xFFFFC000  }
0x48: {  	[spmem:s6] =	stream.linear.scatter [tilespmem:s16], [sflag:$0x3], $0x4000, $0x38;
	[tilespmem:$0x1DE00] =	vst v63  }
0x49: {  	_ =	swait.ge [sflag:s17], $0x4000  }
0x4a: {  	s7 =	sld [smem:$0x7F6]  }
0x4b: {  	[sflag:s17] =	ssyncset.done $0x0  }
0x4c: {  	[sflag:s17] =	ssyncadd.s32 $0xFFFFC000  }
0x4d: {  	[spmem:s7] =	stream.linear.scatter [tilespmem:s16], [sflag:$0x3], $0x4000, $0x38;
	[tilespmem:$0x1DE00] =	vst v63  }
0x4e: {  	_ =	swait.ge [sflag:s17], $0x4000  }
0x4f: {  	[sflag:s17] =	ssyncset.done $0x0  }
0x50: {  	[sflag:s17] =	ssyncadd.s32 $0xFFFFC000  }
0x51: {  	[spmem:s9] =	stream.linear.scatter [tilespmem:s16], [sflag:$0x3], $0x4000, $0x38;
	[tilespmem:$0x1DE00] =	vst v63  }
0x52: {  	_ =	swait.ge [sflag:s17], $0x4000  }
0x53: {  	[sflag:s17] =	ssyncset.done $0x0  }
0x54: {  	[sflag:s17] =	ssyncadd.s32 $0xFFFFC000  }
0x55: {  	[bflag:$0x0] =	sbarrier.arrive $0xFFFF  }
0x56: {  	s8 =	rddreg [dreg:$0x6]  }
0x57: {  	s6 =	sadd.s32 $0x0, s8  }
0x58: {  	[tilespmem:s4], [sflag:$0x3] =	stream.linear.gather [hbm4b:s6+s4], $0xA00, $0x38;
	[tilespmem:$0x1DE00] =	vst v63  }
0x59: {  	_ =	swait.ge [sflag:s17], $0xA00  }
0x5a: {  	s9 =	rddreg [dreg:$0x5];
	[sflag:s17] =	ssyncset.done $0x0  }
0x5b: {  	[sflag:s17] =	ssyncadd.s32 $0xFFFFF600;
	s6 =	sadd.s32 $0x0, s9  }
0x5c: {  	[tilespmem:s18], [sflag:$0x3] =	stream.linear.gather [hbm4b:s6+s4], $0xA00, $0x38;
	[tilespmem:$0x1DE00] =	vst v63  }
0x5d: {  	_ =	swait.ge [sflag:s17], $0xA00  }
0x5e: {  	s5 =	rddreg [dreg:$0x4];
	[sflag:s17] =	ssyncset.done $0x0  }
0x5f: {  	s7 =	rddreg [dreg:$0x7];
	[sflag:s17] =	ssyncadd.s32 $0xFFFFF600;
	s6 =	sadd.s32 $0x0, s5  }
0x60: {  	[tilespmem:s7], [sflag:$0x3] =	stream.linear.gather [hbm4b:s6+s4], $0xA00, $0x38;
	[tilespmem:$0x1DE00] =	vst v63  }
0x61: {  	_ =	swait.ge [sflag:s17], $0xA00  }
0x62: {  	[sflag:s17] =	ssyncset.done $0x0  }
0x63: {  	[sflag:s17] =	ssyncadd.s32 $0xFFFFF600  }
0x64: {  	[tilespmem:s20], [sflag:$0x1] =	stream.indirect.gather [hbm4b:s0+s19], $0x40, s4, s19, $0xb8;
	[tilespmem:$0x1DE00] =	vst v63  }
0x65: {  	_ = 	snop  }
0x66: {  	[tilespmem:s21], [sflag:$0x2] =	stream.indirect.gather [hbm4b:s0+s19], $0x40, s19, s19, $0xb8;
	[tilespmem:$0x1DE00] =	vst v63  }
0x67: {  	_ =	swait.ge [sflag:s22], $0x2000  }
0x68: {  	[sflag:s22] =	ssyncset.done $0x0  }
0x69: {  	[sflag:s22] =	ssyncadd.s32 $0xFFFFE000  }
0x6a: {  	[spmem:s3] =	stream.indirect.scatter.add.f32 [tilespmem:s16], [sflag:$0x3], $0x80, s18, s19, $0xb8;
	[tilespmem:$0x1DE00] =	vst v63  }
0x6b: {  	_ =	swait.ge [sflag:s17], $0x4000  }
0x6c: {  	[sflag:s17] =	ssyncset.done $0x0  }
0x6d: {  	[sflag:s17] =	ssyncadd.s32 $0xFFFFC000  }
0x6e: {  	_ =	swait.ge [sflag:s23], $0x2000  }
0x6f: {  	[sflag:s23] =	ssyncset.done $0x0  }
0x70: {  	s8 =	rddreg [dreg:$0x8];
	[sflag:s23] =	ssyncadd.s32 $0xFFFFE000  }
0x71: {  	[spmem:s3] =	stream.indirect.scatter.add.f32 [tilespmem:s16], [sflag:$0x3], $0x80, s8, s19, $0xb8;
	[tilespmem:$0x1DE00] =	vst v63  }
0x72: {  	_ =	swait.ge [sflag:s17], $0x4000  }
0x73: {  	[sflag:s17] =	ssyncset.done $0x0  }
0x74: {  	s9 =	rddreg [dreg:$0x9];
	[sflag:s17] =	ssyncadd.s32 $0xFFFFC000  }
0x75: {  	[tilespmem:s20], [sflag:$0x1] =	stream.indirect.gather [hbm4b:s0+s19], $0x40, s9, s19, $0xb8;
	[tilespmem:$0x1DE00] =	vst v63  }
0x76: {  	s5 =	rddreg [dreg:$0xa]  }
0x77: {  	[tilespmem:s21], [sflag:$0x2] =	stream.indirect.gather [hbm4b:s0+s19], $0x40, s5, s19, $0xb8;
	[tilespmem:$0x1DE00] =	vst v63  }
0x78: {  	_ =	swait.ge [sflag:s22], $0x2000  }
0x79: {  	[sflag:s22] =	ssyncset.done $0x0  }
0x7a: {  	s7 =	rddreg [dreg:$0xb];
	[sflag:s22] =	ssyncadd.s32 $0xFFFFE000  }
0x7b: {  	[spmem:s3] =	stream.indirect.scatter.add.f32 [tilespmem:s16], [sflag:$0x3], $0x80, s7, s19, $0xb8;
	[tilespmem:$0x1DE00] =	vst v63  }
0x7c: {  	_ =	swait.ge [sflag:s17], $0x4000  }
0x7d: {  	[sflag:s17] =	ssyncset.done $0x0  }
0x7e: {  	[sflag:s17] =	ssyncadd.s32 $0xFFFFC000  }
0x7f: {  	_ =	swait.ge [sflag:s23], $0x2000  }
0x80: {  	[sflag:s23] =	ssyncset.done $0x0  }
0x81: {  	s8 =	rddreg [dreg:$0xc];
	[sflag:s23] =	ssyncadd.s32 $0xFFFFE000  }
0x82: {  	[spmem:s3] =	stream.indirect.scatter.add.f32 [tilespmem:s16], [sflag:$0x3], $0x80, s8, s19, $0xb8;
	[tilespmem:$0x1DE00] =	vst v63  }
0x83: {  	_ =	swait.ge [sflag:s17], $0x4000  }
0x84: {  	[sflag:s17] =	ssyncset.done $0x0  }
0x85: {  	s9 =	rddreg [dreg:$0xd];
	[sflag:s17] =	ssyncadd.s32 $0xFFFFC000  }
0x86: {  	[tilespmem:s20], [sflag:$0x1] =	stream.indirect.gather [hbm4b:s0+s19], $0x40, s9, s19, $0xb8;
	[tilespmem:$0x1DE00] =	vst v63  }
0x87: {  	s5 =	rddreg [dreg:$0xe]  }
0x88: {  	[tilespmem:s21], [sflag:$0x2] =	stream.indirect.gather [hbm4b:s0+s19], $0x40, s5, s19, $0xb8;
	[tilespmem:$0x1DE00] =	vst v63  }
0x89: {  	_ =	swait.ge [sflag:s22], $0x2000  }
0x8a: {  	[sflag:s22] =	ssyncset.done $0x0  }
0x8b: {  	s7 =	rddreg [dreg:$0xf];
	[sflag:s22] =	ssyncadd.s32 $0xFFFFE000  }
0x8c: {  	[spmem:s3] =	stream.indirect.scatter.add.f32 [tilespmem:s16], [sflag:$0x3], $0x80, s7, s19, $0xb8;
	[tilespmem:$0x1DE00] =	vst v63  }
0x8d: {  	_ =	swait.ge [sflag:s17], $0x4000  }
0x8e: {  	[sflag:s17] =	ssyncset.done $0x0  }
0x8f: {  	[sflag:s17] =	ssyncadd.s32 $0xFFFFC000  }
0x90: {  	_ =	swait.ge [sflag:s23], $0x2000  }
0x91: {  	[sflag:s23] =	ssyncset.done $0x0  }
0x92: {  	s8 =	rddreg [dreg:$0x10];
	[sflag:s23] =	ssyncadd.s32 $0xFFFFE000  }
0x93: {  	[spmem:s3] =	stream.indirect.scatter.add.f32 [tilespmem:s16], [sflag:$0x3], $0x80, s8, s19, $0xb8;
	[tilespmem:$0x1DE00] =	vst v63  }
0x94: {  	_ =	swait.ge [sflag:s17], $0x4000  }
0x95: {  	[sflag:s17] =	ssyncset.done $0x0  }
0x96: {  	s9 =	rddreg [dreg:$0x11];
	[sflag:s17] =	ssyncadd.s32 $0xFFFFC000  }
0x97: {  	[tilespmem:s20], [sflag:$0x1] =	stream.indirect.gather [hbm4b:s0+s19], $0x40, s9, s19, $0xb8;
	[tilespmem:$0x1DE00] =	vst v63  }
0x98: {  	s5 =	rddreg [dreg:$0x12]  }
0x99: {  	[tilespmem:s21], [sflag:$0x2] =	stream.indirect.gather [hbm4b:s0+s19], $0x40, s5, s19, $0xb8;
	[tilespmem:$0x1DE00] =	vst v63  }
0x9a: {  	_ =	swait.ge [sflag:s22], $0x2000  }
0x9b: {  	[sflag:s22] =	ssyncset.done $0x0  }
0x9c: {  	s7 =	rddreg [dreg:$0x13];
	[sflag:s22] =	ssyncadd.s32 $0xFFFFE000  }
0x9d: {  	[spmem:s3] =	stream.indirect.scatter.add.f32 [tilespmem:s16], [sflag:$0x3], $0x80, s7, s19, $0xb8;
	[tilespmem:$0x1DE00] =	vst v63  }
0x9e: {  	_ =	swait.ge [sflag:s17], $0x4000  }
0x9f: {  	[sflag:s17] =	ssyncset.done $0x0  }
0xa0: {  	[sflag:s17] =	ssyncadd.s32 $0xFFFFC000  }
0xa1: {  	_ =	swait.ge [sflag:s23], $0x2000  }
0xa2: {  	[sflag:s23] =	ssyncset.done $0x0  }
0xa3: {  	s8 =	rddreg [dreg:$0x14];
	[sflag:s23] =	ssyncadd.s32 $0xFFFFE000  }
0xa4: {  	[spmem:s3] =	stream.indirect.scatter.add.f32 [tilespmem:s16], [sflag:$0x3], $0x80, s8, s19, $0xb8;
	[tilespmem:$0x1DE00] =	vst v63  }
0xa5: {  	_ =	swait.ge [sflag:s17], $0x4000  }
0xa6: {  	[sflag:s17] =	ssyncset.done $0x0  }
0xa7: {  	s9 =	rddreg [dreg:$0x15];
	[sflag:s17] =	ssyncadd.s32 $0xFFFFC000  }
0xa8: {  	[tilespmem:s20], [sflag:$0x1] =	stream.indirect.gather [hbm4b:s0+s19], $0x40, s9, s19, $0xb8;
	[tilespmem:$0x1DE00] =	vst v63  }
0xa9: {  	s5 =	rddreg [dreg:$0x16]  }
0xaa: {  	[tilespmem:s21], [sflag:$0x2] =	stream.indirect.gather [hbm4b:s0+s19], $0x40, s5, s19, $0xb8;
	[tilespmem:$0x1DE00] =	vst v63  }
0xab: {  	_ =	swait.ge [sflag:s22], $0x2000  }
0xac: {  	[sflag:s22] =	ssyncset.done $0x0  }
0xad: {  	s7 =	rddreg [dreg:$0x17];
	[sflag:s22] =	ssyncadd.s32 $0xFFFFE000  }
0xae: {  	[spmem:s3] =	stream.indirect.scatter.add.f32 [tilespmem:s16], [sflag:$0x3], $0x80, s7, s19, $0xb8;
	[tilespmem:$0x1DE00] =	vst v63  }
0xaf: {  	_ =	swait.ge [sflag:s17], $0x4000  }
0xb0: {  	[sflag:s17] =	ssyncset.done $0x0  }
0xb1: {  	[sflag:s17] =	ssyncadd.s32 $0xFFFFC000  }
0xb2: {  	_ =	swait.ge [sflag:s23], $0x2000  }
0xb3: {  	[sflag:s23] =	ssyncset.done $0x0  }
0xb4: {  	s8 =	rddreg [dreg:$0x18];
	[sflag:s23] =	ssyncadd.s32 $0xFFFFE000  }
0xb5: {  	[spmem:s3] =	stream.indirect.scatter.add.f32 [tilespmem:s16], [sflag:$0x3], $0x80, s8, s19, $0xb8;
	[tilespmem:$0x1DE00] =	vst v63  }
0xb6: {  	_ =	swait.ge [sflag:s17], $0x4000  }
0xb7: {  	[sflag:s17] =	ssyncset.done $0x0  }
0xb8: {  	s9 =	rddreg [dreg:$0x19];
	[sflag:s17] =	ssyncadd.s32 $0xFFFFC000  }
0xb9: {  	[tilespmem:s20], [sflag:$0x1] =	stream.indirect.gather [hbm4b:s0+s19], $0x40, s9, s19, $0xb8;
	[tilespmem:$0x1DE00] =	vst v63  }
0xba: {  	s5 =	rddreg [dreg:$0x1a]  }
0xbb: {  	[tilespmem:s21], [sflag:$0x2] =	stream.indirect.gather [hbm4b:s0+s19], $0x40, s5, s19, $0xb8;
	[tilespmem:$0x1DE00] =	vst v63  }
0xbc: {  	_ =	swait.ge [sflag:s22], $0x2000  }
0xbd: {  	[sflag:s22] =	ssyncset.done $0x0  }
0xbe: {  	s7 =	rddreg [dreg:$0x1b];
	[sflag:s22] =	ssyncadd.s32 $0xFFFFE000  }
0xbf: {  	[spmem:s3] =	stream.indirect.scatter.add.f32 [tilespmem:s16], [sflag:$0x3], $0x80, s7, s19, $0xb8;
	[tilespmem:$0x1DE00] =	vst v63  }
0xc0: {  	_ =	swait.ge [sflag:s17], $0x4000  }
0xc1: {  	[sflag:s17] =	ssyncset.done $0x0  }
0xc2: {  	[sflag:s17] =	ssyncadd.s32 $0xFFFFC000  }
0xc3: {  	_ =	swait.ge [sflag:s23], $0x2000  }
0xc4: {  	[sflag:s23] =	ssyncset.done $0x0  }
0xc5: {  	s8 =	rddreg [dreg:$0x1c];
	[sflag:s23] =	ssyncadd.s32 $0xFFFFE000  }
0xc6: {  	[spmem:s3] =	stream.indirect.scatter.add.f32 [tilespmem:s16], [sflag:$0x3], $0x80, s8, s19, $0xb8;
	[tilespmem:$0x1DE00] =	vst v63  }
0xc7: {  	_ =	swait.ge [sflag:s17], $0x4000  }
0xc8: {  	[sflag:s17] =	ssyncset.done $0x0  }
0xc9: {  	s9 =	rddreg [dreg:$0x1d];
	[sflag:s17] =	ssyncadd.s32 $0xFFFFC000  }
0xca: {  	[tilespmem:s20], [sflag:$0x1] =	stream.indirect.gather [hbm4b:s0+s19], $0x40, s9, s19, $0xb8;
	[tilespmem:$0x1DE00] =	vst v63  }
0xcb: {  	_ = 	snop  }
0xcc: {  	[tilespmem:s21], [sflag:$0x2] =	stream.indirect.gather [hbm4b:s0+s19], $0x40, s24, s19, $0xb8;
	[tilespmem:$0x1DE00] =	vst v63  }
0xcd: {  	_ =	swait.ge [sflag:s22], $0x2000  }
0xce: {  	[sflag:s22] =	ssyncset.done $0x0  }
0xcf: {  	[sflag:s22] =	ssyncadd.s32 $0xFFFFE000  }
0xd0: {  	[spmem:s3] =	stream.indirect.scatter.add.f32 [tilespmem:s16], [sflag:$0x3], $0x80, s25, s19, $0xb8;
	[tilespmem:$0x1DE00] =	vst v63  }
0xd1: {  	_ =	swait.ge [sflag:s17], $0x4000  }
0xd2: {  	[sflag:s17] =	ssyncset.done $0x0  }
0xd3: {  	[sflag:s17] =	ssyncadd.s32 $0xFFFFC000  }
0xd4: {  	_ =	swait.ge [sflag:s23], $0x2000  }
0xd5: {  	[sflag:s23] =	ssyncset.done $0x0  }
0xd6: {  	[sflag:s23] =	ssyncadd.s32 $0xFFFFE000  }
0xd7: {  	[spmem:s3] =	stream.indirect.scatter.add.f32 [tilespmem:s16], [sflag:$0x3], $0x80, s26, s19, $0xb8;
	[tilespmem:$0x1DE00] =	vst v63  }
0xd8: {  	_ =	swait.ge [sflag:s17], $0x4000  }
0xd9: {  	[sflag:s17] =	ssyncset.done $0x0  }
0xda: {  	[sflag:s17] =	ssyncadd.s32 $0xFFFFC000  }
0xdb: {  	[tilespmem:s20], [sflag:$0x1] =	stream.indirect.gather [hbm4b:s0+s19], $0x40, s28, s19, $0xb8;
	[tilespmem:$0x1DE00] =	vst v63  }
0xdc: {  	_ = 	snop  }
0xdd: {  	[tilespmem:s21], [sflag:$0x2] =	stream.indirect.gather [hbm4b:s0+s19], $0x40, s29, s19, $0xb8;
	[tilespmem:$0x1DE00] =	vst v63  }
0xde: {  	_ =	swait.ge [sflag:s22], $0x2000  }
0xdf: {  	[sflag:s22] =	ssyncset.done $0x0  }
0xe0: {  	[sflag:s22] =	ssyncadd.s32 $0xFFFFE000  }
0xe1: {  	[spmem:s3] =	stream.indirect.scatter.add.f32 [tilespmem:s16], [sflag:$0x3], $0x80, s30, s19, $0xb8;
	[tilespmem:$0x1DE00] =	vst v63  }
0xe2: {  	_ =	swait.ge [sflag:s17], $0x4000  }
0xe3: {  	[sflag:s17] =	ssyncset.done $0x0  }
0xe4: {  	[sflag:s17] =	ssyncadd.s32 $0xFFFFC000  }
0xe5: {  	_ =	swait.ge [sflag:s23], $0x2000  }
0xe6: {  	[sflag:s23] =	ssyncset.done $0x0  }
0xe7: {  	[sflag:s23] =	ssyncadd.s32 $0xFFFFE000  }
0xe8: {  	[spmem:s3] =	stream.indirect.scatter.add.f32 [tilespmem:s16], [sflag:$0x3], $0x80, s31, s19, $0xb8;
	[tilespmem:$0x1DE00] =	vst v63  }
0xe9: {  	_ =	swait.ge [sflag:s17], $0x4000  }
0xea: {  	[sflag:s17] =	ssyncset.done $0x0  }
0xeb: {  	[sflag:s17] =	ssyncadd.s32 $0xFFFFC000  }
0xec: {  	[tilespmem:s20], [sflag:$0x1] =	stream.indirect.gather [hbm4b:s0+s19], $0x40, s1, s19, $0xb8;
	[tilespmem:$0x1DE00] =	vst v63  }
0xed: {  	_ = 	snop  }
0xee: {  	[tilespmem:s21], [sflag:$0x2] =	stream.indirect.gather [hbm4b:s0+s19], $0x40, s2, s19, $0xb8;
	[tilespmem:$0x1DE00] =	vst v63  }
0xef: {  	_ =	swait.ge [sflag:s22], $0x2000  }
0xf0: {  	[sflag:s22] =	ssyncset.done $0x0  }
0xf1: {  	[sflag:s22] =	ssyncadd.s32 $0xFFFFE000  }
0xf2: {  	[spmem:s3] =	stream.indirect.scatter.add.f32 [tilespmem:s16], [sflag:$0x3], $0x80, s10, s19, $0xb8;
	[tilespmem:$0x1DE00] =	vst v63  }
0xf3: {  	_ =	swait.ge [sflag:s17], $0x4000  }
0xf4: {  	[sflag:s17] =	ssyncset.done $0x0  }
0xf5: {  	[sflag:s17] =	ssyncadd.s32 $0xFFFFC000  }
0xf6: {  	_ =	swait.ge [sflag:s23], $0x2000  }
0xf7: {  	[sflag:s23] =	ssyncset.done $0x0  }
0xf8: {  	[sflag:s23] =	ssyncadd.s32 $0xFFFFE000  }
0xf9: {  	[spmem:s3] =	stream.indirect.scatter.add.f32 [tilespmem:s16], [sflag:$0x3], $0x80, s11, s19, $0xb8;
	[tilespmem:$0x1DE00] =	vst v63  }
0xfa: {  	_ =	swait.ge [sflag:s17], $0x4000  }
0xfb: {  	[sflag:s17] =	ssyncset.done $0x0  }
0xfc: {  	[sflag:s17] =	ssyncadd.s32 $0xFFFFC000  }
0xfd: {  	[tilespmem:s20], [sflag:$0x1] =	stream.indirect.gather [hbm4b:s0+s19], $0x40, s12, s19, $0xb8;
	[tilespmem:$0x1DE00] =	vst v63  }
0xfe: {  	_ = 	snop  }
0xff: {  	[tilespmem:s21], [sflag:$0x2] =	stream.indirect.gather [hbm4b:s0+s19], $0x40, s13, s19, $0xb8;
	[tilespmem:$0x1DE00] =	vst v63  }
0x100: {  	_ =	swait.ge [sflag:s22], $0x2000  }
0x101: {  	[sflag:s22] =	ssyncset.done $0x0  }
0x102: {  	[sflag:s22] =	ssyncadd.s32 $0xFFFFE000  }
0x103: {  	[spmem:s3] =	stream.indirect.scatter.add.f32 [tilespmem:s16], [sflag:$0x3], $0x80, s14, s19, $0xb8;
	[tilespmem:$0x1DE00] =	vst v63  }
0x104: {  	_ =	swait.ge [sflag:s17], $0x4000  }
0x105: {  	[sflag:s17] =	ssyncset.done $0x0  }
0x106: {  	[sflag:s17] =	ssyncadd.s32 $0xFFFFC000  }
0x107: {  	_ =	swait.ge [sflag:s23], $0x2000  }
0x108: {  	[sflag:s23] =	ssyncset.done $0x0  }
0x109: {  	[sflag:s23] =	ssyncadd.s32 $0xFFFFE000  }
0x10a: {  	[spmem:s3] =	stream.indirect.scatter.add.f32 [tilespmem:s16], [sflag:$0x3], $0x80, s15, s19, $0xb8;
	[tilespmem:$0x1DE00] =	vst v63  }
0x10b: {  	s6 =	simm.s32 $0x140;
	_ =	swait.ge [sflag:s17], $0x4000  }
0x10c: {  	s7 =	simm.s32 $0x280;
	s8 =	rddreg [dreg:$0x6];
	[sflag:s17] =	ssyncset.done $0x0  }
.LBB2_4:
0x10d: {  	[sflag:s17] =	ssyncadd.s32 $0xFFFFC000;
	s8 =	sadd.s32 s6, s8  }
0x10e: {  	[tilespmem:s4], [sflag:$0x3] =	stream.linear.gather [hbm4b:s8+s4], $0xA00, $0x38;
	[tilespmem:$0x1DE00] =	vst v63  }
0x10f: {  	_ =	swait.ge [sflag:s17], $0xA00  }
0x110: {  	s5 =	rddreg [dreg:$0x5];
	[sflag:s17] =	ssyncset.done $0x0  }
0x111: {  	[sflag:s17] =	ssyncadd.s32 $0xFFFFF600;
	s8 =	sadd.s32 s6, s5  }
0x112: {  	[tilespmem:s18], [sflag:$0x3] =	stream.linear.gather [hbm4b:s8+s4], $0xA00, $0x38;
	[tilespmem:$0x1DE00] =	vst v63  }
0x113: {  	_ =	swait.ge [sflag:s17], $0xA00  }
0x114: {  	s8 =	rddreg [dreg:$0x4];
	[sflag:s17] =	ssyncset.done $0x0  }
0x115: {  	s5 =	rddreg [dreg:$0x7];
	[sflag:s17] =	ssyncadd.s32 $0xFFFFF600;
	s8 =	sadd.s32 s6, s8  }
0x116: {  	[tilespmem:s5], [sflag:$0x3] =	stream.linear.gather [hbm4b:s8+s4], $0xA00, $0x38;
	[tilespmem:$0x1DE00] =	vst v63  }
0x117: {  	_ =	swait.ge [sflag:s17], $0xA00  }
0x118: {  	[sflag:s17] =	ssyncset.done $0x0  }
0x119: {  	[sflag:s17] =	ssyncadd.s32 $0xFFFFF600  }
0x11a: {  	[tilespmem:s20], [sflag:$0x1] =	stream.indirect.gather [hbm4b:s0+s19], $0x40, s4, s19, $0xb8;
	[tilespmem:$0x1DE00] =	vst v63  }
0x11b: {  	_ = 	snop  }
0x11c: {  	[tilespmem:s21], [sflag:$0x2] =	stream.indirect.gather [hbm4b:s0+s19], $0x40, s19, s19, $0xb8;
	[tilespmem:$0x1DE00] =	vst v63  }
0x11d: {  	_ =	swait.ge [sflag:s22], $0x2000  }
0x11e: {  	[sflag:s22] =	ssyncset.done $0x0  }
0x11f: {  	[sflag:s22] =	ssyncadd.s32 $0xFFFFE000  }
0x120: {  	[spmem:s3] =	stream.indirect.scatter.add.f32 [tilespmem:s16], [sflag:$0x3], $0x80, s18, s19, $0xb8;
	[tilespmem:$0x1DE00] =	vst v63  }
0x121: {  	_ =	swait.ge [sflag:s17], $0x4000  }
0x122: {  	[sflag:s17] =	ssyncset.done $0x0  }
0x123: {  	[sflag:s17] =	ssyncadd.s32 $0xFFFFC000  }
0x124: {  	_ =	swait.ge [sflag:s23], $0x2000  }
0x125: {  	s9 =	smov.u32 s7;
	[sflag:s23] =	ssyncset.done $0x0  }
0x126: {  	s6 =	smov.u32 s9;
	s9 =	rddreg [dreg:$0x8];
	[sflag:s23] =	ssyncadd.s32 $0xFFFFE000  }
0x127: {  	[spmem:s3] =	stream.indirect.scatter.add.f32 [tilespmem:s16], [sflag:$0x3], $0x80, s9, s19, $0xb8;
	[tilespmem:$0x1DE00] =	vst v63  }
0x128: {  	_ =	swait.ge [sflag:s17], $0x4000  }
0x129: {  	[sflag:s17] =	ssyncset.done $0x0  }
0x12a: {  	s8 =	rddreg [dreg:$0x9];
	[sflag:s17] =	ssyncadd.s32 $0xFFFFC000  }
0x12b: {  	[tilespmem:s20], [sflag:$0x1] =	stream.indirect.gather [hbm4b:s0+s19], $0x40, s8, s19, $0xb8;
	[tilespmem:$0x1DE00] =	vst v63  }
0x12c: {  	s9 =	rddreg [dreg:$0xa]  }
0x12d: {  	[tilespmem:s21], [sflag:$0x2] =	stream.indirect.gather [hbm4b:s0+s19], $0x40, s9, s19, $0xb8;
	[tilespmem:$0x1DE00] =	vst v63  }
0x12e: {  	_ =	swait.ge [sflag:s22], $0x2000  }
0x12f: {  	[sflag:s22] =	ssyncset.done $0x0  }
0x130: {  	s8 =	rddreg [dreg:$0xb];
	[sflag:s22] =	ssyncadd.s32 $0xFFFFE000  }
0x131: {  	[spmem:s3] =	stream.indirect.scatter.add.f32 [tilespmem:s16], [sflag:$0x3], $0x80, s8, s19, $0xb8;
	[tilespmem:$0x1DE00] =	vst v63  }
0x132: {  	_ =	swait.ge [sflag:s17], $0x4000  }
0x133: {  	[sflag:s17] =	ssyncset.done $0x0  }
0x134: {  	[sflag:s17] =	ssyncadd.s32 $0xFFFFC000  }
0x135: {  	_ =	swait.ge [sflag:s23], $0x2000  }
0x136: {  	[sflag:s23] =	ssyncset.done $0x0  }
0x137: {  	s9 =	rddreg [dreg:$0xc];
	[sflag:s23] =	ssyncadd.s32 $0xFFFFE000  }
0x138: {  	[spmem:s3] =	stream.indirect.scatter.add.f32 [tilespmem:s16], [sflag:$0x3], $0x80, s9, s19, $0xb8;
	[tilespmem:$0x1DE00] =	vst v63  }
0x139: {  	_ =	swait.ge [sflag:s17], $0x4000  }
0x13a: {  	[sflag:s17] =	ssyncset.done $0x0  }
0x13b: {  	s8 =	rddreg [dreg:$0xd];
	[sflag:s17] =	ssyncadd.s32 $0xFFFFC000  }
0x13c: {  	[tilespmem:s20], [sflag:$0x1] =	stream.indirect.gather [hbm4b:s0+s19], $0x40, s8, s19, $0xb8;
	[tilespmem:$0x1DE00] =	vst v63  }
0x13d: {  	s9 =	rddreg [dreg:$0xe]  }
0x13e: {  	[tilespmem:s21], [sflag:$0x2] =	stream.indirect.gather [hbm4b:s0+s19], $0x40, s9, s19, $0xb8;
	[tilespmem:$0x1DE00] =	vst v63  }
0x13f: {  	_ =	swait.ge [sflag:s22], $0x2000  }
0x140: {  	[sflag:s22] =	ssyncset.done $0x0  }
0x141: {  	s8 =	rddreg [dreg:$0xf];
	[sflag:s22] =	ssyncadd.s32 $0xFFFFE000  }
0x142: {  	[spmem:s3] =	stream.indirect.scatter.add.f32 [tilespmem:s16], [sflag:$0x3], $0x80, s8, s19, $0xb8;
	[tilespmem:$0x1DE00] =	vst v63  }
0x143: {  	_ =	swait.ge [sflag:s17], $0x4000  }
0x144: {  	[sflag:s17] =	ssyncset.done $0x0  }
0x145: {  	[sflag:s17] =	ssyncadd.s32 $0xFFFFC000  }
0x146: {  	_ =	swait.ge [sflag:s23], $0x2000  }
0x147: {  	[sflag:s23] =	ssyncset.done $0x0  }
0x148: {  	s9 =	rddreg [dreg:$0x10];
	[sflag:s23] =	ssyncadd.s32 $0xFFFFE000  }
0x149: {  	[spmem:s3] =	stream.indirect.scatter.add.f32 [tilespmem:s16], [sflag:$0x3], $0x80, s9, s19, $0xb8;
	[tilespmem:$0x1DE00] =	vst v63  }
0x14a: {  	_ =	swait.ge [sflag:s17], $0x4000  }
0x14b: {  	[sflag:s17] =	ssyncset.done $0x0  }
0x14c: {  	s8 =	rddreg [dreg:$0x11];
	[sflag:s17] =	ssyncadd.s32 $0xFFFFC000  }
0x14d: {  	[tilespmem:s20], [sflag:$0x1] =	stream.indirect.gather [hbm4b:s0+s19], $0x40, s8, s19, $0xb8;
	[tilespmem:$0x1DE00] =	vst v63  }
0x14e: {  	s9 =	rddreg [dreg:$0x12]  }
0x14f: {  	[tilespmem:s21], [sflag:$0x2] =	stream.indirect.gather [hbm4b:s0+s19], $0x40, s9, s19, $0xb8;
	[tilespmem:$0x1DE00] =	vst v63  }
0x150: {  	_ =	swait.ge [sflag:s22], $0x2000  }
0x151: {  	[sflag:s22] =	ssyncset.done $0x0  }
0x152: {  	s8 =	rddreg [dreg:$0x13];
	[sflag:s22] =	ssyncadd.s32 $0xFFFFE000  }
0x153: {  	[spmem:s3] =	stream.indirect.scatter.add.f32 [tilespmem:s16], [sflag:$0x3], $0x80, s8, s19, $0xb8;
	[tilespmem:$0x1DE00] =	vst v63  }
0x154: {  	_ =	swait.ge [sflag:s17], $0x4000  }
0x155: {  	[sflag:s17] =	ssyncset.done $0x0  }
0x156: {  	[sflag:s17] =	ssyncadd.s32 $0xFFFFC000  }
0x157: {  	_ =	swait.ge [sflag:s23], $0x2000  }
0x158: {  	[sflag:s23] =	ssyncset.done $0x0  }
0x159: {  	s9 =	rddreg [dreg:$0x14];
	[sflag:s23] =	ssyncadd.s32 $0xFFFFE000  }
0x15a: {  	[spmem:s3] =	stream.indirect.scatter.add.f32 [tilespmem:s16], [sflag:$0x3], $0x80, s9, s19, $0xb8;
	[tilespmem:$0x1DE00] =	vst v63  }
0x15b: {  	_ =	swait.ge [sflag:s17], $0x4000  }
0x15c: {  	[sflag:s17] =	ssyncset.done $0x0  }
0x15d: {  	s8 =	rddreg [dreg:$0x15];
	[sflag:s17] =	ssyncadd.s32 $0xFFFFC000  }
0x15e: {  	[tilespmem:s20], [sflag:$0x1] =	stream.indirect.gather [hbm4b:s0+s19], $0x40, s8, s19, $0xb8;
	[tilespmem:$0x1DE00] =	vst v63  }
0x15f: {  	s9 =	rddreg [dreg:$0x16]  }
0x160: {  	[tilespmem:s21], [sflag:$0x2] =	stream.indirect.gather [hbm4b:s0+s19], $0x40, s9, s19, $0xb8;
	[tilespmem:$0x1DE00] =	vst v63  }
0x161: {  	_ =	swait.ge [sflag:s22], $0x2000  }
0x162: {  	[sflag:s22] =	ssyncset.done $0x0  }
0x163: {  	s8 =	rddreg [dreg:$0x17];
	[sflag:s22] =	ssyncadd.s32 $0xFFFFE000  }
0x164: {  	[spmem:s3] =	stream.indirect.scatter.add.f32 [tilespmem:s16], [sflag:$0x3], $0x80, s8, s19, $0xb8;
	[tilespmem:$0x1DE00] =	vst v63  }
0x165: {  	_ =	swait.ge [sflag:s17], $0x4000  }
0x166: {  	[sflag:s17] =	ssyncset.done $0x0  }
0x167: {  	[sflag:s17] =	ssyncadd.s32 $0xFFFFC000  }
0x168: {  	_ =	swait.ge [sflag:s23], $0x2000  }
0x169: {  	[sflag:s23] =	ssyncset.done $0x0  }
0x16a: {  	s9 =	rddreg [dreg:$0x18];
	[sflag:s23] =	ssyncadd.s32 $0xFFFFE000  }
0x16b: {  	[spmem:s3] =	stream.indirect.scatter.add.f32 [tilespmem:s16], [sflag:$0x3], $0x80, s9, s19, $0xb8;
	[tilespmem:$0x1DE00] =	vst v63  }
0x16c: {  	_ =	swait.ge [sflag:s17], $0x4000  }
0x16d: {  	[sflag:s17] =	ssyncset.done $0x0  }
0x16e: {  	s8 =	rddreg [dreg:$0x19];
	[sflag:s17] =	ssyncadd.s32 $0xFFFFC000  }
0x16f: {  	[tilespmem:s20], [sflag:$0x1] =	stream.indirect.gather [hbm4b:s0+s19], $0x40, s8, s19, $0xb8;
	[tilespmem:$0x1DE00] =	vst v63  }
0x170: {  	s9 =	rddreg [dreg:$0x1a]  }
0x171: {  	[tilespmem:s21], [sflag:$0x2] =	stream.indirect.gather [hbm4b:s0+s19], $0x40, s9, s19, $0xb8;
	[tilespmem:$0x1DE00] =	vst v63  }
0x172: {  	_ =	swait.ge [sflag:s22], $0x2000  }
0x173: {  	[sflag:s22] =	ssyncset.done $0x0  }
0x174: {  	s9 =	rddreg [dreg:$0x1b];
	[sflag:s22] =	ssyncadd.s32 $0xFFFFE000  }
0x175: {  	[spmem:s3] =	stream.indirect.scatter.add.f32 [tilespmem:s16], [sflag:$0x3], $0x80, s9, s19, $0xb8;
	[tilespmem:$0x1DE00] =	vst v63  }
0x176: {  	_ =	swait.ge [sflag:s17], $0x4000  }
0x177: {  	[sflag:s17] =	ssyncset.done $0x0  }
0x178: {  	[sflag:s17] =	ssyncadd.s32 $0xFFFFC000  }
0x179: {  	_ =	swait.ge [sflag:s23], $0x2000  }
0x17a: {  	[sflag:s23] =	ssyncset.done $0x0  }
0x17b: {  	s8 =	rddreg [dreg:$0x1c];
	[sflag:s23] =	ssyncadd.s32 $0xFFFFE000  }
0x17c: {  	[spmem:s3] =	stream.indirect.scatter.add.f32 [tilespmem:s16], [sflag:$0x3], $0x80, s8, s19, $0xb8;
	[tilespmem:$0x1DE00] =	vst v63  }
0x17d: {  	_ =	swait.ge [sflag:s17], $0x4000  }
0x17e: {  	[sflag:s17] =	ssyncset.done $0x0  }
0x17f: {  	s9 =	rddreg [dreg:$0x1d];
	[sflag:s17] =	ssyncadd.s32 $0xFFFFC000  }
0x180: {  	[tilespmem:s20], [sflag:$0x1] =	stream.indirect.gather [hbm4b:s0+s19], $0x40, s9, s19, $0xb8;
	[tilespmem:$0x1DE00] =	vst v63  }
0x181: {  	_ = 	snop  }
0x182: {  	[tilespmem:s21], [sflag:$0x2] =	stream.indirect.gather [hbm4b:s0+s19], $0x40, s24, s19, $0xb8;
	[tilespmem:$0x1DE00] =	vst v63  }
0x183: {  	_ =	swait.ge [sflag:s22], $0x2000  }
0x184: {  	[sflag:s22] =	ssyncset.done $0x0  }
0x185: {  	[sflag:s22] =	ssyncadd.s32 $0xFFFFE000  }
0x186: {  	[spmem:s3] =	stream.indirect.scatter.add.f32 [tilespmem:s16], [sflag:$0x3], $0x80, s25, s19, $0xb8;
	[tilespmem:$0x1DE00] =	vst v63  }
0x187: {  	_ =	swait.ge [sflag:s17], $0x4000  }
0x188: {  	[sflag:s17] =	ssyncset.done $0x0  }
0x189: {  	[sflag:s17] =	ssyncadd.s32 $0xFFFFC000  }
0x18a: {  	_ =	swait.ge [sflag:s23], $0x2000  }
0x18b: {  	[sflag:s23] =	ssyncset.done $0x0  }
0x18c: {  	[sflag:s23] =	ssyncadd.s32 $0xFFFFE000  }
0x18d: {  	[spmem:s3] =	stream.indirect.scatter.add.f32 [tilespmem:s16], [sflag:$0x3], $0x80, s26, s19, $0xb8;
	[tilespmem:$0x1DE00] =	vst v63  }
0x18e: {  	_ =	swait.ge [sflag:s17], $0x4000  }
0x18f: {  	[sflag:s17] =	ssyncset.done $0x0  }
0x190: {  	[sflag:s17] =	ssyncadd.s32 $0xFFFFC000  }
0x191: {  	[tilespmem:s20], [sflag:$0x1] =	stream.indirect.gather [hbm4b:s0+s19], $0x40, s28, s19, $0xb8;
	[tilespmem:$0x1DE00] =	vst v63  }
0x192: {  	_ = 	snop  }
0x193: {  	[tilespmem:s21], [sflag:$0x2] =	stream.indirect.gather [hbm4b:s0+s19], $0x40, s29, s19, $0xb8;
	[tilespmem:$0x1DE00] =	vst v63  }
0x194: {  	_ =	swait.ge [sflag:s22], $0x2000  }
0x195: {  	[sflag:s22] =	ssyncset.done $0x0  }
0x196: {  	[sflag:s22] =	ssyncadd.s32 $0xFFFFE000  }
0x197: {  	[spmem:s3] =	stream.indirect.scatter.add.f32 [tilespmem:s16], [sflag:$0x3], $0x80, s30, s19, $0xb8;
	[tilespmem:$0x1DE00] =	vst v63  }
0x198: {  	_ =	swait.ge [sflag:s17], $0x4000  }
0x199: {  	[sflag:s17] =	ssyncset.done $0x0  }
0x19a: {  	[sflag:s17] =	ssyncadd.s32 $0xFFFFC000  }
0x19b: {  	_ =	swait.ge [sflag:s23], $0x2000  }
0x19c: {  	[sflag:s23] =	ssyncset.done $0x0  }
0x19d: {  	[sflag:s23] =	ssyncadd.s32 $0xFFFFE000  }
0x19e: {  	[spmem:s3] =	stream.indirect.scatter.add.f32 [tilespmem:s16], [sflag:$0x3], $0x80, s31, s19, $0xb8;
	[tilespmem:$0x1DE00] =	vst v63  }
0x19f: {  	_ =	swait.ge [sflag:s17], $0x4000  }
0x1a0: {  	[sflag:s17] =	ssyncset.done $0x0  }
0x1a1: {  	[sflag:s17] =	ssyncadd.s32 $0xFFFFC000  }
0x1a2: {  	[tilespmem:s20], [sflag:$0x1] =	stream.indirect.gather [hbm4b:s0+s19], $0x40, s1, s19, $0xb8;
	[tilespmem:$0x1DE00] =	vst v63  }
0x1a3: {  	_ = 	snop  }
0x1a4: {  	[tilespmem:s21], [sflag:$0x2] =	stream.indirect.gather [hbm4b:s0+s19], $0x40, s2, s19, $0xb8;
	[tilespmem:$0x1DE00] =	vst v63  }
0x1a5: {  	_ =	swait.ge [sflag:s22], $0x2000  }
0x1a6: {  	[sflag:s22] =	ssyncset.done $0x0  }
0x1a7: {  	[sflag:s22] =	ssyncadd.s32 $0xFFFFE000  }
0x1a8: {  	[spmem:s3] =	stream.indirect.scatter.add.f32 [tilespmem:s16], [sflag:$0x3], $0x80, s10, s19, $0xb8;
	[tilespmem:$0x1DE00] =	vst v63  }
0x1a9: {  	_ =	swait.ge [sflag:s17], $0x4000  }
0x1aa: {  	[sflag:s17] =	ssyncset.done $0x0  }
0x1ab: {  	[sflag:s17] =	ssyncadd.s32 $0xFFFFC000  }
0x1ac: {  	_ =	swait.ge [sflag:s23], $0x2000  }
0x1ad: {  	[sflag:s23] =	ssyncset.done $0x0  }
0x1ae: {  	[sflag:s23] =	ssyncadd.s32 $0xFFFFE000  }
0x1af: {  	[spmem:s3] =	stream.indirect.scatter.add.f32 [tilespmem:s16], [sflag:$0x3], $0x80, s11, s19, $0xb8;
	[tilespmem:$0x1DE00] =	vst v63  }
0x1b0: {  	_ =	swait.ge [sflag:s17], $0x4000  }
0x1b1: {  	[sflag:s17] =	ssyncset.done $0x0  }
0x1b2: {  	[sflag:s17] =	ssyncadd.s32 $0xFFFFC000  }
0x1b3: {  	[tilespmem:s20], [sflag:$0x1] =	stream.indirect.gather [hbm4b:s0+s19], $0x40, s12, s19, $0xb8;
	[tilespmem:$0x1DE00] =	vst v63  }
0x1b4: {  	_ = 	snop  }
0x1b5: {  	[tilespmem:s21], [sflag:$0x2] =	stream.indirect.gather [hbm4b:s0+s19], $0x40, s13, s19, $0xb8;
	[tilespmem:$0x1DE00] =	vst v63  }
0x1b6: {  	_ =	swait.ge [sflag:s22], $0x2000  }
0x1b7: {  	[sflag:s22] =	ssyncset.done $0x0  }
0x1b8: {  	[sflag:s22] =	ssyncadd.s32 $0xFFFFE000  }
0x1b9: {  	[spmem:s3] =	stream.indirect.scatter.add.f32 [tilespmem:s16], [sflag:$0x3], $0x80, s14, s19, $0xb8;
	[tilespmem:$0x1DE00] =	vst v63  }
0x1ba: {  	_ =	swait.ge [sflag:s17], $0x4000  }
0x1bb: {  	[sflag:s17] =	ssyncset.done $0x0  }
0x1bc: {  	[sflag:s17] =	ssyncadd.s32 $0xFFFFC000  }
0x1bd: {  	p0 =	sne.s32 s7, $0x3C0;
	_ =	swait.ge [sflag:s23], $0x2000  }
.Ltmp1:
0x1be: {  	[sflag:s23] =	ssyncset.done $0x0;
	(pc) =	sbr.rel @p0 .LBB2_4-.Ltmp1, $4  }
0x1bf: {  	[sflag:s23] =	ssyncadd.s32 $0xFFFFE000  }
0x1c0: {  	[spmem:s3] =	stream.indirect.scatter.add.f32 [tilespmem:s16], [sflag:$0x3], $0x80, s15, s19, $0xb8;
	[tilespmem:$0x1DE00] =	vst v63  }
0x1c1: {  	_ =	swait.ge [sflag:s17], $0x4000  }
0x1c2: {  	s7 =	sadd.s32 $0x140, s7;
	s8 =	rddreg [dreg:$0x6];
	[sflag:s17] =	ssyncset.done $0x0  }
0x1c3: {  	[sflag:s17] =	ssyncadd.s32 $0xFFFFC000;
	s5 =	sadd.s32 s6, s8  }
0x1c4: {  	[tilespmem:s4], [sflag:$0x3] =	stream.linear.gather [hbm4b:s5+s4], $0xA00, $0x38;
	[tilespmem:$0x1DE00] =	vst v63  }
0x1c5: {  	_ =	swait.ge [sflag:s17], $0xA00  }
0x1c6: {  	s7 =	rddreg [dreg:$0x5];
	[sflag:s17] =	ssyncset.done $0x0  }
0x1c7: {  	[sflag:s17] =	ssyncadd.s32 $0xFFFFF600;
	s5 =	sadd.s32 s6, s7  }
0x1c8: {  	[tilespmem:s18], [sflag:$0x3] =	stream.linear.gather [hbm4b:s5+s4], $0xA00, $0x38;
	[tilespmem:$0x1DE00] =	vst v63  }
0x1c9: {  	_ =	swait.ge [sflag:s17], $0xA00  }
0x1ca: {  	s8 =	rddreg [dreg:$0x4];
	[sflag:s17] =	ssyncset.done $0x0  }
0x1cb: {  	s7 =	rddreg [dreg:$0x7];
	s5 =	sadd.s32 s6, s8;
	[sflag:s17] =	ssyncadd.s32 $0xFFFFF600  }
0x1cc: {  	[tilespmem:s7], [sflag:$0x3] =	stream.linear.gather [hbm4b:s5+s4], $0xA00, $0x38;
	[tilespmem:$0x1DE00] =	vst v63  }
0x1cd: {  	_ =	swait.ge [sflag:s17], $0xA00  }
0x1ce: {  	[sflag:s17] =	ssyncset.done $0x0  }
0x1cf: {  	[sflag:s17] =	ssyncadd.s32 $0xFFFFF600  }
0x1d0: {  	[tilespmem:s20], [sflag:$0x1] =	stream.indirect.gather [hbm4b:s0+s19], $0x40, s4, s19, $0xb8;
	[tilespmem:$0x1DE00] =	vst v63  }
0x1d1: {  	_ = 	snop  }
0x1d2: {  	[tilespmem:s21], [sflag:$0x2] =	stream.indirect.gather [hbm4b:s0+s19], $0x40, s19, s19, $0xb8;
	[tilespmem:$0x1DE00] =	vst v63  }
0x1d3: {  	_ =	swait.ge [sflag:s22], $0x2000  }
0x1d4: {  	[sflag:s22] =	ssyncset.done $0x0  }
0x1d5: {  	[sflag:s22] =	ssyncadd.s32 $0xFFFFE000  }
0x1d6: {  	[spmem:s3] =	stream.indirect.scatter.add.f32 [tilespmem:s16], [sflag:$0x3], $0x80, s18, s19, $0xb8;
	[tilespmem:$0x1DE00] =	vst v63  }
0x1d7: {  	_ =	swait.ge [sflag:s17], $0x4000  }
0x1d8: {  	[sflag:s17] =	ssyncset.done $0x0  }
0x1d9: {  	[sflag:s17] =	ssyncadd.s32 $0xFFFFC000  }
0x1da: {  	_ =	swait.ge [sflag:s23], $0x2000  }
0x1db: {  	[sflag:s23] =	ssyncset.done $0x0  }
0x1dc: {  	s9 =	rddreg [dreg:$0x8];
	[sflag:s23] =	ssyncadd.s32 $0xFFFFE000  }
0x1dd: {  	[spmem:s3] =	stream.indirect.scatter.add.f32 [tilespmem:s16], [sflag:$0x3], $0x80, s9, s19, $0xb8;
	[tilespmem:$0x1DE00] =	vst v63  }
0x1de: {  	_ =	swait.ge [sflag:s17], $0x4000  }
0x1df: {  	[sflag:s17] =	ssyncset.done $0x0  }
0x1e0: {  	s6 =	rddreg [dreg:$0x9];
	[sflag:s17] =	ssyncadd.s32 $0xFFFFC000  }
0x1e1: {  	[tilespmem:s20], [sflag:$0x1] =	stream.indirect.gather [hbm4b:s0+s19], $0x40, s6, s19, $0xb8;
	[tilespmem:$0x1DE00] =	vst v63  }
0x1e2: {  	s7 =	rddreg [dreg:$0xa]  }
0x1e3: {  	[tilespmem:s21], [sflag:$0x2] =	stream.indirect.gather [hbm4b:s0+s19], $0x40, s7, s19, $0xb8;
	[tilespmem:$0x1DE00] =	vst v63  }
0x1e4: {  	_ =	swait.ge [sflag:s22], $0x2000  }
0x1e5: {  	[sflag:s22] =	ssyncset.done $0x0  }
0x1e6: {  	s8 =	rddreg [dreg:$0xb];
	[sflag:s22] =	ssyncadd.s32 $0xFFFFE000  }
0x1e7: {  	[spmem:s3] =	stream.indirect.scatter.add.f32 [tilespmem:s16], [sflag:$0x3], $0x80, s8, s19, $0xb8;
	[tilespmem:$0x1DE00] =	vst v63  }
0x1e8: {  	_ =	swait.ge [sflag:s17], $0x4000  }
0x1e9: {  	[sflag:s17] =	ssyncset.done $0x0  }
0x1ea: {  	[sflag:s17] =	ssyncadd.s32 $0xFFFFC000  }
0x1eb: {  	_ =	swait.ge [sflag:s23], $0x2000  }
0x1ec: {  	[sflag:s23] =	ssyncset.done $0x0  }
0x1ed: {  	s9 =	rddreg [dreg:$0xc];
	[sflag:s23] =	ssyncadd.s32 $0xFFFFE000  }
0x1ee: {  	[spmem:s3] =	stream.indirect.scatter.add.f32 [tilespmem:s16], [sflag:$0x3], $0x80, s9, s19, $0xb8;
	[tilespmem:$0x1DE00] =	vst v63  }
0x1ef: {  	_ =	swait.ge [sflag:s17], $0x4000  }
0x1f0: {  	[sflag:s17] =	ssyncset.done $0x0  }
0x1f1: {  	s6 =	rddreg [dreg:$0xd];
	[sflag:s17] =	ssyncadd.s32 $0xFFFFC000  }
0x1f2: {  	[tilespmem:s20], [sflag:$0x1] =	stream.indirect.gather [hbm4b:s0+s19], $0x40, s6, s19, $0xb8;
	[tilespmem:$0x1DE00] =	vst v63  }
0x1f3: {  	s7 =	rddreg [dreg:$0xe]  }
0x1f4: {  	[tilespmem:s21], [sflag:$0x2] =	stream.indirect.gather [hbm4b:s0+s19], $0x40, s7, s19, $0xb8;
	[tilespmem:$0x1DE00] =	vst v63  }
0x1f5: {  	_ =	swait.ge [sflag:s22], $0x2000  }
0x1f6: {  	[sflag:s22] =	ssyncset.done $0x0  }
0x1f7: {  	s8 =	rddreg [dreg:$0xf];
	[sflag:s22] =	ssyncadd.s32 $0xFFFFE000  }
0x1f8: {  	[spmem:s3] =	stream.indirect.scatter.add.f32 [tilespmem:s16], [sflag:$0x3], $0x80, s8, s19, $0xb8;
	[tilespmem:$0x1DE00] =	vst v63  }
0x1f9: {  	_ =	swait.ge [sflag:s17], $0x4000  }
0x1fa: {  	[sflag:s17] =	ssyncset.done $0x0  }
0x1fb: {  	[sflag:s17] =	ssyncadd.s32 $0xFFFFC000  }
0x1fc: {  	_ =	swait.ge [sflag:s23], $0x2000  }
0x1fd: {  	[sflag:s23] =	ssyncset.done $0x0  }
0x1fe: {  	s9 =	rddreg [dreg:$0x10];
	[sflag:s23] =	ssyncadd.s32 $0xFFFFE000  }
0x1ff: {  	[spmem:s3] =	stream.indirect.scatter.add.f32 [tilespmem:s16], [sflag:$0x3], $0x80, s9, s19, $0xb8;
	[tilespmem:$0x1DE00] =	vst v63  }
0x200: {  	_ =	swait.ge [sflag:s17], $0x4000  }
0x201: {  	[sflag:s17] =	ssyncset.done $0x0  }
0x202: {  	s6 =	rddreg [dreg:$0x11];
	[sflag:s17] =	ssyncadd.s32 $0xFFFFC000  }
0x203: {  	[tilespmem:s20], [sflag:$0x1] =	stream.indirect.gather [hbm4b:s0+s19], $0x40, s6, s19, $0xb8;
	[tilespmem:$0x1DE00] =	vst v63  }
0x204: {  	s7 =	rddreg [dreg:$0x12]  }
0x205: {  	[tilespmem:s21], [sflag:$0x2] =	stream.indirect.gather [hbm4b:s0+s19], $0x40, s7, s19, $0xb8;
	[tilespmem:$0x1DE00] =	vst v63  }
0x206: {  	_ =	swait.ge [sflag:s22], $0x2000  }
0x207: {  	[sflag:s22] =	ssyncset.done $0x0  }
0x208: {  	s8 =	rddreg [dreg:$0x13];
	[sflag:s22] =	ssyncadd.s32 $0xFFFFE000  }
0x209: {  	[spmem:s3] =	stream.indirect.scatter.add.f32 [tilespmem:s16], [sflag:$0x3], $0x80, s8, s19, $0xb8;
	[tilespmem:$0x1DE00] =	vst v63  }
0x20a: {  	_ =	swait.ge [sflag:s17], $0x4000  }
0x20b: {  	[sflag:s17] =	ssyncset.done $0x0  }
0x20c: {  	[sflag:s17] =	ssyncadd.s32 $0xFFFFC000  }
0x20d: {  	_ =	swait.ge [sflag:s23], $0x2000  }
0x20e: {  	[sflag:s23] =	ssyncset.done $0x0  }
0x20f: {  	s9 =	rddreg [dreg:$0x14];
	[sflag:s23] =	ssyncadd.s32 $0xFFFFE000  }
0x210: {  	[spmem:s3] =	stream.indirect.scatter.add.f32 [tilespmem:s16], [sflag:$0x3], $0x80, s9, s19, $0xb8;
	[tilespmem:$0x1DE00] =	vst v63  }
0x211: {  	_ =	swait.ge [sflag:s17], $0x4000  }
0x212: {  	[sflag:s17] =	ssyncset.done $0x0  }
0x213: {  	s6 =	rddreg [dreg:$0x15];
	[sflag:s17] =	ssyncadd.s32 $0xFFFFC000  }
0x214: {  	[tilespmem:s20], [sflag:$0x1] =	stream.indirect.gather [hbm4b:s0+s19], $0x40, s6, s19, $0xb8;
	[tilespmem:$0x1DE00] =	vst v63  }
0x215: {  	s7 =	rddreg [dreg:$0x16]  }
0x216: {  	[tilespmem:s21], [sflag:$0x2] =	stream.indirect.gather [hbm4b:s0+s19], $0x40, s7, s19, $0xb8;
	[tilespmem:$0x1DE00] =	vst v63  }
0x217: {  	_ =	swait.ge [sflag:s22], $0x2000  }
0x218: {  	[sflag:s22] =	ssyncset.done $0x0  }
0x219: {  	s8 =	rddreg [dreg:$0x17];
	[sflag:s22] =	ssyncadd.s32 $0xFFFFE000  }
0x21a: {  	[spmem:s3] =	stream.indirect.scatter.add.f32 [tilespmem:s16], [sflag:$0x3], $0x80, s8, s19, $0xb8;
	[tilespmem:$0x1DE00] =	vst v63  }
0x21b: {  	_ =	swait.ge [sflag:s17], $0x4000  }
0x21c: {  	[sflag:s17] =	ssyncset.done $0x0  }
0x21d: {  	[sflag:s17] =	ssyncadd.s32 $0xFFFFC000  }
0x21e: {  	_ =	swait.ge [sflag:s23], $0x2000  }
0x21f: {  	[sflag:s23] =	ssyncset.done $0x0  }
0x220: {  	s9 =	rddreg [dreg:$0x18];
	[sflag:s23] =	ssyncadd.s32 $0xFFFFE000  }
0x221: {  	[spmem:s3] =	stream.indirect.scatter.add.f32 [tilespmem:s16], [sflag:$0x3], $0x80, s9, s19, $0xb8;
	[tilespmem:$0x1DE00] =	vst v63  }
0x222: {  	_ =	swait.ge [sflag:s17], $0x4000  }
0x223: {  	[sflag:s17] =	ssyncset.done $0x0  }
0x224: {  	s6 =	rddreg [dreg:$0x19];
	[sflag:s17] =	ssyncadd.s32 $0xFFFFC000  }
0x225: {  	[tilespmem:s20], [sflag:$0x1] =	stream.indirect.gather [hbm4b:s0+s19], $0x40, s6, s19, $0xb8;
	[tilespmem:$0x1DE00] =	vst v63  }
0x226: {  	s7 =	rddreg [dreg:$0x1a]  }
0x227: {  	[tilespmem:s21], [sflag:$0x2] =	stream.indirect.gather [hbm4b:s0+s19], $0x40, s7, s19, $0xb8;
	[tilespmem:$0x1DE00] =	vst v63  }
0x228: {  	_ =	swait.ge [sflag:s22], $0x2000  }
0x229: {  	[sflag:s22] =	ssyncset.done $0x0  }
0x22a: {  	s8 =	rddreg [dreg:$0x1b];
	[sflag:s22] =	ssyncadd.s32 $0xFFFFE000  }
0x22b: {  	[spmem:s3] =	stream.indirect.scatter.add.f32 [tilespmem:s16], [sflag:$0x3], $0x80, s8, s19, $0xb8;
	[tilespmem:$0x1DE00] =	vst v63  }
0x22c: {  	_ =	swait.ge [sflag:s17], $0x4000  }
0x22d: {  	[sflag:s17] =	ssyncset.done $0x0  }
0x22e: {  	[sflag:s17] =	ssyncadd.s32 $0xFFFFC000  }
0x22f: {  	_ =	swait.ge [sflag:s23], $0x2000  }
0x230: {  	[sflag:s23] =	ssyncset.done $0x0  }
0x231: {  	s9 =	rddreg [dreg:$0x1c];
	[sflag:s23] =	ssyncadd.s32 $0xFFFFE000  }
0x232: {  	[spmem:s3] =	stream.indirect.scatter.add.f32 [tilespmem:s16], [sflag:$0x3], $0x80, s9, s19, $0xb8;
	[tilespmem:$0x1DE00] =	vst v63  }
0x233: {  	_ =	swait.ge [sflag:s17], $0x4000  }
0x234: {  	[sflag:s17] =	ssyncset.done $0x0  }
0x235: {  	s6 =	rddreg [dreg:$0x1d];
	[sflag:s17] =	ssyncadd.s32 $0xFFFFC000  }
0x236: {  	[tilespmem:s20], [sflag:$0x1] =	stream.indirect.gather [hbm4b:s0+s19], $0x40, s6, s19, $0xb8;
	[tilespmem:$0x1DE00] =	vst v63  }
0x237: {  	_ = 	snop  }
0x238: {  	[tilespmem:s21], [sflag:$0x2] =	stream.indirect.gather [hbm4b:s0+s19], $0x40, s24, s19, $0xb8;
	[tilespmem:$0x1DE00] =	vst v63  }
0x239: {  	_ =	swait.ge [sflag:s22], $0x2000  }
0x23a: {  	[sflag:s22] =	ssyncset.done $0x0  }
0x23b: {  	[sflag:s22] =	ssyncadd.s32 $0xFFFFE000  }
0x23c: {  	[spmem:s3] =	stream.indirect.scatter.add.f32 [tilespmem:s16], [sflag:$0x3], $0x80, s25, s19, $0xb8;
	[tilespmem:$0x1DE00] =	vst v63  }
0x23d: {  	_ =	swait.ge [sflag:s17], $0x4000  }
0x23e: {  	[sflag:s17] =	ssyncset.done $0x0  }
0x23f: {  	[sflag:s17] =	ssyncadd.s32 $0xFFFFC000  }
0x240: {  	_ =	swait.ge [sflag:s23], $0x2000  }
0x241: {  	[sflag:s23] =	ssyncset.done $0x0  }
0x242: {  	[sflag:s23] =	ssyncadd.s32 $0xFFFFE000  }
0x243: {  	[spmem:s3] =	stream.indirect.scatter.add.f32 [tilespmem:s16], [sflag:$0x3], $0x80, s26, s19, $0xb8;
	[tilespmem:$0x1DE00] =	vst v63  }
0x244: {  	_ =	swait.ge [sflag:s17], $0x4000  }
0x245: {  	[sflag:s17] =	ssyncset.done $0x0  }
0x246: {  	[sflag:s17] =	ssyncadd.s32 $0xFFFFC000  }
0x247: {  	[tilespmem:s20], [sflag:$0x1] =	stream.indirect.gather [hbm4b:s0+s19], $0x40, s28, s19, $0xb8;
	[tilespmem:$0x1DE00] =	vst v63  }
0x248: {  	_ = 	snop  }
0x249: {  	[tilespmem:s21], [sflag:$0x2] =	stream.indirect.gather [hbm4b:s0+s19], $0x40, s29, s19, $0xb8;
	[tilespmem:$0x1DE00] =	vst v63  }
0x24a: {  	_ =	swait.ge [sflag:s22], $0x2000  }
0x24b: {  	[sflag:s22] =	ssyncset.done $0x0  }
0x24c: {  	[sflag:s22] =	ssyncadd.s32 $0xFFFFE000  }
0x24d: {  	[spmem:s3] =	stream.indirect.scatter.add.f32 [tilespmem:s16], [sflag:$0x3], $0x80, s30, s19, $0xb8;
	[tilespmem:$0x1DE00] =	vst v63  }
0x24e: {  	_ =	swait.ge [sflag:s17], $0x4000  }
0x24f: {  	[sflag:s17] =	ssyncset.done $0x0  }
0x250: {  	[sflag:s17] =	ssyncadd.s32 $0xFFFFC000  }
0x251: {  	_ =	swait.ge [sflag:s23], $0x2000  }
0x252: {  	[sflag:s23] =	ssyncset.done $0x0  }
0x253: {  	[sflag:s23] =	ssyncadd.s32 $0xFFFFE000  }
0x254: {  	[spmem:s3] =	stream.indirect.scatter.add.f32 [tilespmem:s16], [sflag:$0x3], $0x80, s31, s19, $0xb8;
	[tilespmem:$0x1DE00] =	vst v63  }
0x255: {  	_ =	swait.ge [sflag:s17], $0x4000  }
0x256: {  	[sflag:s17] =	ssyncset.done $0x0  }
0x257: {  	[sflag:s17] =	ssyncadd.s32 $0xFFFFC000  }
0x258: {  	[tilespmem:s20], [sflag:$0x1] =	stream.indirect.gather [hbm4b:s0+s19], $0x40, s1, s19, $0xb8;
	[tilespmem:$0x1DE00] =	vst v63  }
0x259: {  	_ = 	snop  }
0x25a: {  	[tilespmem:s21], [sflag:$0x2] =	stream.indirect.gather [hbm4b:s0+s19], $0x40, s2, s19, $0xb8;
	[tilespmem:$0x1DE00] =	vst v63  }
0x25b: {  	_ =	swait.ge [sflag:s22], $0x2000  }
0x25c: {  	[sflag:s22] =	ssyncset.done $0x0  }
0x25d: {  	[sflag:s22] =	ssyncadd.s32 $0xFFFFE000  }
0x25e: {  	[spmem:s3] =	stream.indirect.scatter.add.f32 [tilespmem:s16], [sflag:$0x3], $0x80, s10, s19, $0xb8;
	[tilespmem:$0x1DE00] =	vst v63  }
0x25f: {  	_ =	swait.ge [sflag:s17], $0x4000  }
0x260: {  	[sflag:s17] =	ssyncset.done $0x0  }
0x261: {  	[sflag:s17] =	ssyncadd.s32 $0xFFFFC000  }
0x262: {  	_ =	swait.ge [sflag:s23], $0x2000  }
0x263: {  	[sflag:s23] =	ssyncset.done $0x0  }
0x264: {  	[sflag:s23] =	ssyncadd.s32 $0xFFFFE000  }
0x265: {  	[spmem:s3] =	stream.indirect.scatter.add.f32 [tilespmem:s16], [sflag:$0x3], $0x80, s11, s19, $0xb8;
	[tilespmem:$0x1DE00] =	vst v63  }
0x266: {  	_ =	swait.ge [sflag:s17], $0x4000  }
0x267: {  	[sflag:s17] =	ssyncset.done $0x0  }
0x268: {  	[sflag:s17] =	ssyncadd.s32 $0xFFFFC000  }
0x269: {  	[tilespmem:s20], [sflag:$0x1] =	stream.indirect.gather [hbm4b:s0+s19], $0x40, s12, s19, $0xb8;
	[tilespmem:$0x1DE00] =	vst v63  }
0x26a: {  	_ = 	snop  }
0x26b: {  	[tilespmem:s21], [sflag:$0x2] =	stream.indirect.gather [hbm4b:s0+s19], $0x40, s13, s19, $0xb8;
	[tilespmem:$0x1DE00] =	vst v63  }
0x26c: {  	_ =	swait.ge [sflag:s22], $0x2000  }
0x26d: {  	[sflag:s22] =	ssyncset.done $0x0  }
0x26e: {  	[sflag:s22] =	ssyncadd.s32 $0xFFFFE000  }
0x26f: {  	[spmem:s3] =	stream.indirect.scatter.add.f32 [tilespmem:s16], [sflag:$0x3], $0x80, s14, s19, $0xb8;
	[tilespmem:$0x1DE00] =	vst v63  }
0x270: {  	_ =	swait.ge [sflag:s17], $0x4000  }
0x271: {  	[sflag:s17] =	ssyncset.done $0x0  }
0x272: {  	[sflag:s17] =	ssyncadd.s32 $0xFFFFC000  }
0x273: {  	_ =	swait.ge [sflag:s23], $0x2000  }
0x274: {  	[sflag:s23] =	ssyncset.done $0x0  }
0x275: {  	[sflag:s23] =	ssyncadd.s32 $0xFFFFE000  }
0x276: {  	[spmem:s3] =	stream.indirect.scatter.add.f32 [tilespmem:s16], [sflag:$0x3], $0x80, s15, s19, $0xb8;
	[tilespmem:$0x1DE00] =	vst v63  }
0x277: {  	_ =	swait.ge [sflag:s17], $0x4000  }
0x278: {  	[sflag:s17] =	ssyncset.done $0x0  }
0x279: {  	[sflag:s17] =	ssyncadd.s32 $0xFFFFC000  }
0x27a: {  	[bflag:$0x0] =	sbarrier.arrive $0xFFFF  }
0x27b: {  	s7 =	stileid.u32;
	s9 =	sld [smem:$0x7F7]  }
0x27c: {  	s5 =	sshll.u32 s7, $0x6;
	s8 =	rddreg [dreg:$0x1e]  }
0x27d: {  	s5 =	sor.u32 $0x1C03, s5;
	s6 =	sshrl.u32 s8, $0x3  }
0x27e: {  	[hbm:s9], [sflag:s5] =	dma.local [spmem:s6], $0x800  }
0x27f: {  	_ =	swait.ge [sflag:s17], $0x800  }
0x280: {  	s9 =	sld [smem:$0x7F8]  }
0x281: {  	[sflag:s17] =	ssyncset.done $0x0;
	s8 =	rddreg [dreg:$0x1f]  }
0x282: {  	[sflag:s17] =	ssyncadd.s32 $0xFFFFF800;
	s6 =	sshrl.u32 s8, $0x3  }
0x283: {  	[hbm:s9], [sflag:s5] =	dma.local [spmem:s6], $0x800  }
0x284: {  	_ =	swait.ge [sflag:s17], $0x800  }
0x285: {  	s8 =	sld [smem:$0x7F5]  }
0x286: {  	s9 =	sld [smem:$0x7F9]  }
0x287: {  	[sflag:s17] =	ssyncset.done $0x0  }
0x288: {  	[sflag:s17] =	ssyncadd.s32 $0xFFFFF800;
	s6 =	sshrl.u32 s8, $0x3  }
0x289: {  	[hbm:s9], [sflag:s5] =	dma.local [spmem:s6], $0x800  }
0x28a: {  	_ =	swait.ge [sflag:s17], $0x800  }
0x28b: {  	s8 =	sld [smem:$0x7F6]  }
0x28c: {  	s9 =	sld [smem:$0x7FA]  }
0x28d: {  	[sflag:s17] =	ssyncset.done $0x0  }
0x28e: {  	[sflag:s17] =	ssyncadd.s32 $0xFFFFF800;
	s6 =	sshrl.u32 s8, $0x3  }
0x28f: {  	[hbm:s9], [sflag:s5] =	dma.local [spmem:s6], $0x800  }
0x290: {  	_ =	swait.ge [sflag:s17], $0x800  }
0x291: {  	s9 =	sld [smem:$0x7FD]  }
0x292: {  	s8 =	sld [smem:$0x7FB]  }
0x293: {  	[sflag:s17] =	ssyncset.done $0x0  }
0x294: {  	[sflag:s17] =	ssyncadd.s32 $0xFFFFF800;
	s7 =	sshrl.u32 s9, $0x3  }
0x295: {  	[hbm:s8], [sflag:s5] =	dma.local [spmem:s7], $0x800  }
0x296: {  	_ =	swait.ge [sflag:s17], $0x800  }
0x297: {  	s7 =	sld [smem:$0x7F4]  }
0x298: {  	s8 =	sld [smem:$0x7FC];
	_ =	sdelay $0x1  }
0x299: {  	s6 =	sadd.s32 $0x1, s7  }
0x29a: {  	p0 =	sne.s32 s6, s8  }
.Ltmp2:
0x29b: {  	_ = 	snop;
	(pc) =	sbr.rel @p0 .LBB2_1-.Ltmp2, $3  }
0x29c: {  	_ =	sdelay $0x1  }
0x29d: {  	[sflag:s17] =	ssyncset.done $0x0  }
0x29e: {  	[sflag:s17] =	ssyncadd.s32 $0xFFFFF800  }
0x29f: {  	_ =	sfence.sel $0x180000  }
0x2a0: {  	[bflag:$0x0] =	sbarrier.arrive $0xFFFF  }
0x2a1: {  	_ =	strace $0x90000047  }
0x2a2: {  	s0 =	stileid.u32;
	[bflag:$0x2] =	sbarrier.arrive $0xFFFF  }
0x2a3: {  	p0 =	sne.s32 s0, $0x0;
	s0 =	rddreg [dreg:$0x3]  }
0x2a4: {  	s0 =	sadd.s32 @!p0 $0x100000, s0  }
0x2a5: {  	[sflag:s0] =	ssyncadd.tile.s32 @!p0 $0x1;
	_ =	shalt  }
.Lfunc_end2:
_tile_overlayer_lowered:
.L_overlay_start_2:
0x2a6: {  	(tag) =	ssettag $0x2  }
0x2a7: {  	s0 =	rddreg [dreg:$0x0];
	s2 =	stileid.u32  }
0x2a8: {  	s1 =	rddreg [dreg:$0x1];
	p0 =	sne.s32 s2, $0x0  }
0x2a9: {  	s3 =	rddreg [dreg:$0x2];
	[bflag:$0x3] =	sbarrier.arrive $0xFFFF;
	s2 =	simm.s32 @!p0 $0x1C03  }
0x2aa: {  	[timem:s3], [sflag:s2] =	dma.local @!p0 [hbm:s0], s1  }
0x2ab: {  	s0 =	simm.s32 @!p0 $0x3  }
0x2ac: {  	_ =	swait.ge @!p0 [sflag:s0], s1  }
0x2ad: {  	s1 =	ssub.s32 @!p0 $0x0, s1;
	[sflag:s0] =	ssyncset.done @!p0 $0x0  }
0x2ae: {  	[sflag:s0] =	ssyncadd.s32 @!p0 s1  }
0x2af: {  	[bflag:$0x3] =	sbarrier.arrive $0xFFFF  }
0x2b0: {  	_ =	shalt  }

</sc_bundles>
